<compile_context>
chip_gen: v7x
topology: tpu7x:2x2x1
jax: 0.10.2.dev20260603
libtpu: 0.0.44.dev20260713+nightly
codegen_flags: <defaults>
</compile_context>

<pallas_src>
import functools
import math

import jax
import jax.numpy as jnp
from jax import lax
from jax.experimental import pallas as pl
from jax.experimental.pallas import tpu as pltpu
from jax.experimental.pallas import tpu_sc as plsc

VOCAB = 1000000
EMB = 64
SCALE = math.sqrt(EMB)

NUM_WORKERS = 32
B_TOTAL = 4096 * 200
PER_W = B_TOTAL // NUM_WORKERS
CHUNK = 128
NCHUNK = PER_W // CHUNK
NBUF = 4
GROUP = 2 * NBUF
NBODY = NCHUNK // GROUP
LANES = 16


def _make_kernel():
  mesh = plsc.VectorSubcoreMesh(core_axis_name="c", subcore_axis_name="s")

  rows_scratch = [pltpu.VMEM((CHUNK, EMB), jnp.float32)
                  for _ in range(2 * NBUF)]
  gsem_scratch = [pltpu.SemaphoreType.DMA for _ in range(2 * NBUF)]

  @functools.partial(
      pl.kernel,
      mesh=mesh,
      out_type=jax.ShapeDtypeStruct((B_TOTAL, EMB), jnp.float32),
      compiler_params=pltpu.CompilerParams(use_tc_tiling_on_sc=False),
      scratch_types=[pltpu.VMEM((PER_W,), jnp.int32)]
      + rows_scratch
      + gsem_scratch
      + [pltpu.SemaphoreType.DMA, pltpu.SemaphoreType.DMA],
  )
  def emb_kernel(tokens_hbm, table_hbm, out_hbm, idx_v, *scratch):
    rows = scratch[:2 * NBUF]
    gsem = scratch[2 * NBUF:4 * NBUF]
    osem = scratch[4 * NBUF:]
    rows_ab = (rows[:NBUF], rows[NBUF:])
    gsem_ab = (gsem[:NBUF], gsem[NBUF:])

    wid = lax.axis_index("s") * 2 + lax.axis_index("c")
    base = wid * PER_W
    pltpu.sync_copy(tokens_hbm.at[pl.ds(base, PER_W)], idx_v)

    def scale_rows(buf):
      def scale_body(j, carry):
        for i in range(EMB // LANES):
          sl = pl.ds(i * LANES, LANES)
          buf[j, sl] = buf[j, sl] * SCALE
        return carry
      lax.fori_loop(0, CHUNK, scale_body, 0, unroll=2)

    def body(g, carry):
      goff = g * GROUP * CHUNK
      handles = [None] * 2
      for s in range(2):
        @pl.when(g > 0)
        def _(s=s):
          for b in range(NBUF):
            pltpu.make_async_copy(
                rows_ab[s][b], out_hbm.at[pl.ds(0, CHUNK)], osem[s]).wait()
        handles[s] = [
            pltpu.async_copy(
                table_hbm.at[idx_v.at[pl.ds(goff + (s * NBUF + b) * CHUNK,
                                            CHUNK)]],
                rows_ab[s][b], gsem_ab[s][b])
            for b in range(NBUF)
        ]
      for s in range(2):
        for b in range(NBUF):
          handles[s][b].wait()
          scale_rows(rows_ab[s][b])
          pltpu.async_copy(
              rows_ab[s][b],
              out_hbm.at[pl.ds(base + goff + (s * NBUF + b) * CHUNK, CHUNK)],
              osem[s])
      return carry

    lax.fori_loop(0, NBODY, body, 0)
    for s in range(2):
      for b in range(NBUF):
        pltpu.make_async_copy(
            rows_ab[s][b], out_hbm.at[pl.ds(0, CHUNK)], osem[s]).wait()

  return emb_kernel


_emb_kernel = _make_kernel()


def kernel(tokens, table):
  flat = tokens.reshape(-1).astype(jnp.int32)
  out = _emb_kernel(flat, table)
  return out.reshape(tokens.shape + (EMB,))

# --- scband reference (transcript-rebuilt; emitter-appended) ---
"""Pipeline reference for scband-token-embedding-85581518340266 (READ-ONLY COPY).

The authoritative reference and input builder live on the scoring server;
editing this copy changes nothing except your own understanding.
"""

import math
import jax, jax.numpy as jnp
import numpy as np

VOCAB = 1000000
EMB = 64
PAD_IDX = 0

def setup_inputs(seed: int = 0) -> dict:
    key = jax.random.key(seed)
    k1, k2 = jax.random.split(key)
    tokens = jax.random.randint(k1, (4096, 200), 0, VOCAB, dtype=jnp.int64 if jax.config.jax_enable_x64 else jnp.int32)
    table = jax.random.normal(k2, (VOCAB, EMB), dtype=jnp.float32)
    # nn.Embedding with padding_idx zeroes the padding row at init
    table = table.at[PAD_IDX].set(0.0)
    return {"tokens": tokens, "table": table}

def reference(tokens, table):
    emb = jnp.take(table, tokens, axis=0)
    return emb * math.sqrt(EMB)

if __name__ == "__main__":
    import jax
    _d = setup_inputs()
    print(jax.jit(kernel)(*tuple(_d.values())))

</pallas_src>

<mosaic_0001>
#map = affine_map<(d0, d1) -> (0)>
#map1 = affine_map<(d0, d1) -> (0, 0)>
module attributes {stable_mosaic.version = 14 : i64} {
  func.func @emb_kernel(%arg0: i32, %arg1: i32, %arg2: memref<819200xi32, #tpu.memory_space<hbm>>, %arg3: memref<1000000x64xf32, #tpu.memory_space<hbm>>, %arg4: memref<819200x64xf32, #tpu.memory_space<hbm>>, %arg5: memref<25600xi32, #tpu.memory_space<vmem>>, %arg6: memref<128x64xf32, #tpu.memory_space<vmem>>, %arg7: memref<128x64xf32, #tpu.memory_space<vmem>>, %arg8: memref<128x64xf32, #tpu.memory_space<vmem>>, %arg9: memref<128x64xf32, #tpu.memory_space<vmem>>, %arg10: memref<128x64xf32, #tpu.memory_space<vmem>>, %arg11: memref<128x64xf32, #tpu.memory_space<vmem>>, %arg12: memref<128x64xf32, #tpu.memory_space<vmem>>, %arg13: memref<128x64xf32, #tpu.memory_space<vmem>>, %arg14: memref<!tpu.dma_semaphore, #tpu.memory_space<semaphore_mem>>, %arg15: memref<!tpu.dma_semaphore, #tpu.memory_space<semaphore_mem>>, %arg16: memref<!tpu.dma_semaphore, #tpu.memory_space<semaphore_mem>>, %arg17: memref<!tpu.dma_semaphore, #tpu.memory_space<semaphore_mem>>, %arg18: memref<!tpu.dma_semaphore, #tpu.memory_space<semaphore_mem>>, %arg19: memref<!tpu.dma_semaphore, #tpu.memory_space<semaphore_mem>>, %arg20: memref<!tpu.dma_semaphore, #tpu.memory_space<semaphore_mem>>, %arg21: memref<!tpu.dma_semaphore, #tpu.memory_space<semaphore_mem>>, %arg22: memref<!tpu.dma_semaphore, #tpu.memory_space<semaphore_mem>>, %arg23: memref<!tpu.dma_semaphore, #tpu.memory_space<semaphore_mem>>) attributes {dimension_semantics = [#tpu.dimension_semantics<core_parallel>, #tpu.dimension_semantics<subcore_parallel>], iteration_bounds = array<i64: 2, 16>, scalar_prefetch = 0 : i64, scratch_operands = 19 : i64, tpu.core_type = #tpu.core_type<sc_vector_subcore>, window_params = [{transform_indices = #map}, {transform_indices = #map1}, {transform_indices = #map1}]} {
    %mul3A = arith.constant 2 : i32
    %mul3A_0 = arith.muli %arg1, %mul3A : i32
    %add3A = arith.addi %mul3A_0, %arg0 : i32
    %mul3A_1 = arith.constant 25600 : i32
    %mul3A_2 = arith.muli %add3A, %mul3A_1 : i32
    "tpu.region"() ({
      %run_scoped3A = tpu.sem_alloc : memref<!tpu.dma_semaphore, #tpu.memory_space<semaphore_mem>>
      %dma_start3A = tpu.memref_slice %arg2[%mul3A_2] : memref<819200xi32, #tpu.memory_space<hbm>> -> memref<25600xi32, #tpu.memory_space<hbm>>
      %dma_start3A_55 = tpu.memref_slice %arg2[%mul3A_2] : memref<819200xi32, #tpu.memory_space<hbm>> -> memref<25600xi32, #tpu.memory_space<hbm>>
      tpu.enqueue_dma source(%dma_start3A_55 : memref<25600xi32, #tpu.memory_space<hbm>>) target(%arg5 : memref<25600xi32, #tpu.memory_space<vmem>>) target_semaphore(%run_scoped3A : memref<!tpu.dma_semaphore, #tpu.memory_space<semaphore_mem>>)
      %dma_wait3A_56 = tpu.memref_slice %arg2[%mul3A_2] : memref<819200xi32, #tpu.memory_space<hbm>> -> memref<25600xi32, #tpu.memory_space<hbm>>
      %dma_wait3A_57 = tpu.memref_slice %arg2[%mul3A_2] : memref<819200xi32, #tpu.memory_space<hbm>> -> memref<25600xi32, #tpu.memory_space<hbm>>
      tpu.wait_dma2 semaphore(%run_scoped3A : memref<!tpu.dma_semaphore, #tpu.memory_space<semaphore_mem>>) src(%dma_wait3A_57 : memref<25600xi32, #tpu.memory_space<hbm>>) dst(%arg5 : memref<25600xi32, #tpu.memory_space<vmem>>)
      tpu.yield
    }) : () -> ()
    %scan3A = arith.constant 0 : i32
    %scan3A_3 = arith.constant 0 : i32
    %scan3A_4 = arith.constant 25 : i32
    %scan3A_5 = arith.addi %scan3A_3, %scan3A_4 : i32
    %scan3A_6 = arith.constant 1 : i32
    scf.for %scan3A_55 = %scan3A_3 to %scan3A_5 step %scan3A_6  : i32 {
      %mul3A_56 = arith.constant 8 : i32
      %mul3A_57 = arith.muli %scan3A_55, %mul3A_56 : i32
      %mul3A_58 = arith.constant 128 : i32
      %mul3A_59 = arith.muli %mul3A_57, %mul3A_58 : i32
      %gt3A = arith.constant 0 : i32
      %gt3A_60 = arith.cmpi sgt, %scan3A_55, %gt3A : i32
      %convert_element_type3A = arith.extui %gt3A_60 : i1 to i32
      %cond3A = arith.constant 0 : i32
      %cond3A_61 = arith.cmpi ne, %convert_element_type3A, %cond3A : i32
      scf.if %cond3A_61 {
        %dma_wait3A_250 = arith.constant 0 : i32
        %dma_wait3A_251 = arith.constant 0 : i32
        %dma_wait3A_252 = tpu.memref_slice %arg4[%dma_wait3A_250, %dma_wait3A_251] : memref<819200x64xf32, #tpu.memory_space<hbm>> -> memref<128x64xf32, #tpu.memory_space<hbm>>
        %dma_wait3A_253 = arith.constant 0 : i32
        %dma_wait3A_254 = arith.constant 0 : i32
        %dma_wait3A_255 = tpu.memref_slice %arg4[%dma_wait3A_253, %dma_wait3A_254] : memref<819200x64xf32, #tpu.memory_space<hbm>> -> memref<128x64xf32, #tpu.memory_space<hbm>>
        tpu.wait_dma2 semaphore(%arg22 : memref<!tpu.dma_semaphore, #tpu.memory_space<semaphore_mem>>) src(%arg6 : memref<128x64xf32, #tpu.memory_space<vmem>>) dst(%dma_wait3A_255 : memref<128x64xf32, #tpu.memory_space<hbm>>)
        %dma_wait3A_256 = arith.constant 0 : i32
        %dma_wait3A_257 = arith.constant 0 : i32
        %dma_wait3A_258 = tpu.memref_slice %arg4[%dma_wait3A_256, %dma_wait3A_257] : memref<819200x64xf32, #tpu.memory_space<hbm>> -> memref<128x64xf32, #tpu.memory_space<hbm>>
        %dma_wait3A_259 = arith.constant 0 : i32
        %dma_wait3A_260 = arith.constant 0 : i32
        %dma_wait3A_261 = tpu.memref_slice %arg4[%dma_wait3A_259, %dma_wait3A_260] : memref<819200x64xf32, #tpu.memory_space<hbm>> -> memref<128x64xf32, #tpu.memory_space<hbm>>
        tpu.wait_dma2 semaphore(%arg22 : memref<!tpu.dma_semaphore, #tpu.memory_space<semaphore_mem>>) src(%arg7 : memref<128x64xf32, #tpu.memory_space<vmem>>) dst(%dma_wait3A_261 : memref<128x64xf32, #tpu.memory_space<hbm>>)
        %dma_wait3A_262 = arith.constant 0 : i32
        %dma_wait3A_263 = arith.constant 0 : i32
        %dma_wait3A_264 = tpu.memref_slice %arg4[%dma_wait3A_262, %dma_wait3A_263] : memref<819200x64xf32, #tpu.memory_space<hbm>> -> memref<128x64xf32, #tpu.memory_space<hbm>>
        %dma_wait3A_265 = arith.constant 0 : i32
        %dma_wait3A_266 = arith.constant 0 : i32
        %dma_wait3A_267 = tpu.memref_slice %arg4[%dma_wait3A_265, %dma_wait3A_266] : memref<819200x64xf32, #tpu.memory_space<hbm>> -> memref<128x64xf32, #tpu.memory_space<hbm>>
        tpu.wait_dma2 semaphore(%arg22 : memref<!tpu.dma_semaphore, #tpu.memory_space<semaphore_mem>>) src(%arg8 : memref<128x64xf32, #tpu.memory_space<vmem>>) dst(%dma_wait3A_267 : memref<128x64xf32, #tpu.memory_space<hbm>>)
        %dma_wait3A_268 = arith.constant 0 : i32
        %dma_wait3A_269 = arith.constant 0 : i32
        %dma_wait3A_270 = tpu.memref_slice %arg4[%dma_wait3A_268, %dma_wait3A_269] : memref<819200x64xf32, #tpu.memory_space<hbm>> -> memref<128x64xf32, #tpu.memory_space<hbm>>
        %dma_wait3A_271 = arith.constant 0 : i32
        %dma_wait3A_272 = arith.constant 0 : i32
        %dma_wait3A_273 = tpu.memref_slice %arg4[%dma_wait3A_271, %dma_wait3A_272] : memref<819200x64xf32, #tpu.memory_space<hbm>> -> memref<128x64xf32, #tpu.memory_space<hbm>>
        tpu.wait_dma2 semaphore(%arg22 : memref<!tpu.dma_semaphore, #tpu.memory_space<semaphore_mem>>) src(%arg9 : memref<128x64xf32, #tpu.memory_space<vmem>>) dst(%dma_wait3A_273 : memref<128x64xf32, #tpu.memory_space<hbm>>)
      } else {
      }
      %add3A_62 = arith.constant 0 : i32
      %add3A_63 = arith.addi %mul3A_59, %add3A_62 : i32
      %dma_start3A = tpu.memref_slice %arg5[%add3A_63] : memref<25600xi32, #tpu.memory_space<vmem>> -> memref<128xi32, #tpu.memory_space<vmem>>
      %dma_start3A_64 = arith.constant 0 : i32
      %dma_start3A_65 = arith.constant 0 : i32
      %dma_start3A_66 = tpu.memref_slice %arg3[%dma_start3A_64, %dma_start3A_65] : memref<1000000x64xf32, #tpu.memory_space<hbm>> -> memref<1000000x64xf32, #tpu.memory_space<hbm>>
      tpu.enqueue_indirect_dma source(%dma_start3A_66 : memref<1000000x64xf32, #tpu.memory_space<hbm>>) target(%arg6 : memref<128x64xf32, #tpu.memory_space<vmem>>) offsets(%dma_start3A : memref<128xi32, #tpu.memory_space<vmem>>) semaphore(%arg14 : memref<!tpu.dma_semaphore, #tpu.memory_space<semaphore_mem>>)
      %add3A_67 = arith.constant 128 : i32
      %add3A_68 = arith.addi %mul3A_59, %add3A_67 : i32
      %dma_start3A_69 = tpu.memref_slice %arg5[%add3A_68] : memref<25600xi32, #tpu.memory_space<vmem>> -> memref<128xi32, #tpu.memory_space<vmem>>
      %dma_start3A_70 = arith.constant 0 : i32
      %dma_start3A_71 = arith.constant 0 : i32
      %dma_start3A_72 = tpu.memref_slice %arg3[%dma_start3A_70, %dma_start3A_71] : memref<1000000x64xf32, #tpu.memory_space<hbm>> -> memref<1000000x64xf32, #tpu.memory_space<hbm>>
      tpu.enqueue_indirect_dma source(%dma_start3A_72 : memref<1000000x64xf32, #tpu.memory_space<hbm>>) target(%arg7 : memref<128x64xf32, #tpu.memory_space<vmem>>) offsets(%dma_start3A_69 : memref<128xi32, #tpu.memory_space<vmem>>) semaphore(%arg15 : memref<!tpu.dma_semaphore, #tpu.memory_space<semaphore_mem>>)
      %add3A_73 = arith.constant 256 : i32
      %add3A_74 = arith.addi %mul3A_59, %add3A_73 : i32
      %dma_start3A_75 = tpu.memref_slice %arg5[%add3A_74] : memref<25600xi32, #tpu.memory_space<vmem>> -> memref<128xi32, #tpu.memory_space<vmem>>
      %dma_start3A_76 = arith.constant 0 : i32
      %dma_start3A_77 = arith.constant 0 : i32
      %dma_start3A_78 = tpu.memref_slice %arg3[%dma_start3A_76, %dma_start3A_77] : memref<1000000x64xf32, #tpu.memory_space<hbm>> -> memref<1000000x64xf32, #tpu.memory_space<hbm>>
      tpu.enqueue_indirect_dma source(%dma_start3A_78 : memref<1000000x64xf32, #tpu.memory_space<hbm>>) target(%arg8 : memref<128x64xf32, #tpu.memory_space<vmem>>) offsets(%dma_start3A_75 : memref<128xi32, #tpu.memory_space<vmem>>) semaphore(%arg16 : memref<!tpu.dma_semaphore, #tpu.memory_space<semaphore_mem>>)
      %add3A_79 = arith.constant 384 : i32
      %add3A_80 = arith.addi %mul3A_59, %add3A_79 : i32
      %dma_start3A_81 = tpu.memref_slice %arg5[%add3A_80] : memref<25600xi32, #tpu.memory_space<vmem>> -> memref<128xi32, #tpu.memory_space<vmem>>
      %dma_start3A_82 = arith.constant 0 : i32
      %dma_start3A_83 = arith.constant 0 : i32
      %dma_start3A_84 = tpu.memref_slice %arg3[%dma_start3A_82, %dma_start3A_83] : memref<1000000x64xf32, #tpu.memory_space<hbm>> -> memref<1000000x64xf32, #tpu.memory_space<hbm>>
      tpu.enqueue_indirect_dma source(%dma_start3A_84 : memref<1000000x64xf32, #tpu.memory_space<hbm>>) target(%arg9 : memref<128x64xf32, #tpu.memory_space<vmem>>) offsets(%dma_start3A_81 : memref<128xi32, #tpu.memory_space<vmem>>) semaphore(%arg17 : memref<!tpu.dma_semaphore, #tpu.memory_space<semaphore_mem>>)
      %gt3A_85 = arith.constant 0 : i32
      %gt3A_86 = arith.cmpi sgt, %scan3A_55, %gt3A_85 : i32
      %convert_element_type3A_87 = arith.extui %gt3A_86 : i1 to i32
      %cond3A_88 = arith.constant 0 : i32
      %cond3A_89 = arith.cmpi ne, %convert_element_type3A_87, %cond3A_88 : i32
      scf.if %cond3A_89 {
        %dma_wait3A_250 = arith.constant 0 : i32
        %dma_wait3A_251 = arith.constant 0 : i32
        %dma_wait3A_252 = tpu.memref_slice %arg4[%dma_wait3A_250, %dma_wait3A_251] : memref<819200x64xf32, #tpu.memory_space<hbm>> -> memref<128x64xf32, #tpu.memory_space<hbm>>
        %dma_wait3A_253 = arith.constant 0 : i32
        %dma_wait3A_254 = arith.constant 0 : i32
        %dma_wait3A_255 = tpu.memref_slice %arg4[%dma_wait3A_253, %dma_wait3A_254] : memref<819200x64xf32, #tpu.memory_space<hbm>> -> memref<128x64xf32, #tpu.memory_space<hbm>>
        tpu.wait_dma2 semaphore(%arg23 : memref<!tpu.dma_semaphore, #tpu.memory_space<semaphore_mem>>) src(%arg10 : memref<128x64xf32, #tpu.memory_space<vmem>>) dst(%dma_wait3A_255 : memref<128x64xf32, #tpu.memory_space<hbm>>)
        %dma_wait3A_256 = arith.constant 0 : i32
        %dma_wait3A_257 = arith.constant 0 : i32
        %dma_wait3A_258 = tpu.memref_slice %arg4[%dma_wait3A_256, %dma_wait3A_257] : memref<819200x64xf32, #tpu.memory_space<hbm>> -> memref<128x64xf32, #tpu.memory_space<hbm>>
        %dma_wait3A_259 = arith.constant 0 : i32
        %dma_wait3A_260 = arith.constant 0 : i32
        %dma_wait3A_261 = tpu.memref_slice %arg4[%dma_wait3A_259, %dma_wait3A_260] : memref<819200x64xf32, #tpu.memory_space<hbm>> -> memref<128x64xf32, #tpu.memory_space<hbm>>
        tpu.wait_dma2 semaphore(%arg23 : memref<!tpu.dma_semaphore, #tpu.memory_space<semaphore_mem>>) src(%arg11 : memref<128x64xf32, #tpu.memory_space<vmem>>) dst(%dma_wait3A_261 : memref<128x64xf32, #tpu.memory_space<hbm>>)
        %dma_wait3A_262 = arith.constant 0 : i32
        %dma_wait3A_263 = arith.constant 0 : i32
        %dma_wait3A_264 = tpu.memref_slice %arg4[%dma_wait3A_262, %dma_wait3A_263] : memref<819200x64xf32, #tpu.memory_space<hbm>> -> memref<128x64xf32, #tpu.memory_space<hbm>>
        %dma_wait3A_265 = arith.constant 0 : i32
        %dma_wait3A_266 = arith.constant 0 : i32
        %dma_wait3A_267 = tpu.memref_slice %arg4[%dma_wait3A_265, %dma_wait3A_266] : memref<819200x64xf32, #tpu.memory_space<hbm>> -> memref<128x64xf32, #tpu.memory_space<hbm>>
        tpu.wait_dma2 semaphore(%arg23 : memref<!tpu.dma_semaphore, #tpu.memory_space<semaphore_mem>>) src(%arg12 : memref<128x64xf32, #tpu.memory_space<vmem>>) dst(%dma_wait3A_267 : memref<128x64xf32, #tpu.memory_space<hbm>>)
        %dma_wait3A_268 = arith.constant 0 : i32
        %dma_wait3A_269 = arith.constant 0 : i32
        %dma_wait3A_270 = tpu.memref_slice %arg4[%dma_wait3A_268, %dma_wait3A_269] : memref<819200x64xf32, #tpu.memory_space<hbm>> -> memref<128x64xf32, #tpu.memory_space<hbm>>
        %dma_wait3A_271 = arith.constant 0 : i32
        %dma_wait3A_272 = arith.constant 0 : i32
        %dma_wait3A_273 = tpu.memref_slice %arg4[%dma_wait3A_271, %dma_wait3A_272] : memref<819200x64xf32, #tpu.memory_space<hbm>> -> memref<128x64xf32, #tpu.memory_space<hbm>>
        tpu.wait_dma2 semaphore(%arg23 : memref<!tpu.dma_semaphore, #tpu.memory_space<semaphore_mem>>) src(%arg13 : memref<128x64xf32, #tpu.memory_space<vmem>>) dst(%dma_wait3A_273 : memref<128x64xf32, #tpu.memory_space<hbm>>)
      } else {
      }
      %add3A_90 = arith.constant 512 : i32
      %add3A_91 = arith.addi %mul3A_59, %add3A_90 : i32
      %dma_start3A_92 = tpu.memref_slice %arg5[%add3A_91] : memref<25600xi32, #tpu.memory_space<vmem>> -> memref<128xi32, #tpu.memory_space<vmem>>
      %dma_start3A_93 = arith.constant 0 : i32
      %dma_start3A_94 = arith.constant 0 : i32
      %dma_start3A_95 = tpu.memref_slice %arg3[%dma_start3A_93, %dma_start3A_94] : memref<1000000x64xf32, #tpu.memory_space<hbm>> -> memref<1000000x64xf32, #tpu.memory_space<hbm>>
      tpu.enqueue_indirect_dma source(%dma_start3A_95 : memref<1000000x64xf32, #tpu.memory_space<hbm>>) target(%arg10 : memref<128x64xf32, #tpu.memory_space<vmem>>) offsets(%dma_start3A_92 : memref<128xi32, #tpu.memory_space<vmem>>) semaphore(%arg18 : memref<!tpu.dma_semaphore, #tpu.memory_space<semaphore_mem>>)
      %add3A_96 = arith.constant 640 : i32
      %add3A_97 = arith.addi %mul3A_59, %add3A_96 : i32
      %dma_start3A_98 = tpu.memref_slice %arg5[%add3A_97] : memref<25600xi32, #tpu.memory_space<vmem>> -> memref<128xi32, #tpu.memory_space<vmem>>
      %dma_start3A_99 = arith.constant 0 : i32
      %dma_start3A_100 = arith.constant 0 : i32
      %dma_start3A_101 = tpu.memref_slice %arg3[%dma_start3A_99, %dma_start3A_100] : memref<1000000x64xf32, #tpu.memory_space<hbm>> -> memref<1000000x64xf32, #tpu.memory_space<hbm>>
      tpu.enqueue_indirect_dma source(%dma_start3A_101 : memref<1000000x64xf32, #tpu.memory_space<hbm>>) target(%arg11 : memref<128x64xf32, #tpu.memory_space<vmem>>) offsets(%dma_start3A_98 : memref<128xi32, #tpu.memory_space<vmem>>) semaphore(%arg19 : memref<!tpu.dma_semaphore, #tpu.memory_space<semaphore_mem>>)
      %add3A_102 = arith.constant 768 : i32
      %add3A_103 = arith.addi %mul3A_59, %add3A_102 : i32
      %dma_start3A_104 = tpu.memref_slice %arg5[%add3A_103] : memref<25600xi32, #tpu.memory_space<vmem>> -> memref<128xi32, #tpu.memory_space<vmem>>
      %dma_start3A_105 = arith.constant 0 : i32
      %dma_start3A_106 = arith.constant 0 : i32
      %dma_start3A_107 = tpu.memref_slice %arg3[%dma_start3A_105, %dma_start3A_106] : memref<1000000x64xf32, #tpu.memory_space<hbm>> -> memref<1000000x64xf32, #tpu.memory_space<hbm>>
      tpu.enqueue_indirect_dma source(%dma_start3A_107 : memref<1000000x64xf32, #tpu.memory_space<hbm>>) target(%arg12 : memref<128x64xf32, #tpu.memory_space<vmem>>) offsets(%dma_start3A_104 : memref<128xi32, #tpu.memory_space<vmem>>) semaphore(%arg20 : memref<!tpu.dma_semaphore, #tpu.memory_space<semaphore_mem>>)
      %add3A_108 = arith.constant 896 : i32
      %add3A_109 = arith.addi %mul3A_59, %add3A_108 : i32
      %dma_start3A_110 = tpu.memref_slice %arg5[%add3A_109] : memref<25600xi32, #tpu.memory_space<vmem>> -> memref<128xi32, #tpu.memory_space<vmem>>
      %dma_start3A_111 = arith.constant 0 : i32
      %dma_start3A_112 = arith.constant 0 : i32
      %dma_start3A_113 = tpu.memref_slice %arg3[%dma_start3A_111, %dma_start3A_112] : memref<1000000x64xf32, #tpu.memory_space<hbm>> -> memref<1000000x64xf32, #tpu.memory_space<hbm>>
      tpu.enqueue_indirect_dma source(%dma_start3A_113 : memref<1000000x64xf32, #tpu.memory_space<hbm>>) target(%arg13 : memref<128x64xf32, #tpu.memory_space<vmem>>) offsets(%dma_start3A_110 : memref<128xi32, #tpu.memory_space<vmem>>) semaphore(%arg21 : memref<!tpu.dma_semaphore, #tpu.memory_space<semaphore_mem>>)
      %dma_wait3A_114 = tpu.memref_slice %arg5[%add3A_63] : memref<25600xi32, #tpu.memory_space<vmem>> -> memref<128xi32, #tpu.memory_space<vmem>>
      %dma_wait3A_115 = arith.constant 0 : i32
      %dma_wait3A_116 = arith.constant 0 : i32
      %dma_wait3A_117 = tpu.memref_slice %arg3[%dma_wait3A_115, %dma_wait3A_116] : memref<1000000x64xf32, #tpu.memory_space<hbm>> -> memref<1000000x64xf32, #tpu.memory_space<hbm>>
      tpu.wait_indirect_dma semaphore(%arg14 : memref<!tpu.dma_semaphore, #tpu.memory_space<semaphore_mem>>) src(%dma_wait3A_117 : memref<1000000x64xf32, #tpu.memory_space<hbm>>) dst(%arg6 : memref<128x64xf32, #tpu.memory_space<vmem>>)
      %scan3A_118 = arith.constant 0 : i32
      %scan3A_119 = arith.constant 0 : i32
      %scan3A_120 = arith.constant 128 : i32
      %scan3A_121 = arith.addi %scan3A_119, %scan3A_120 : i32
      %scan3A_122 = arith.constant 2 : i32
      scf.for %scan3A_250 = %scan3A_119 to %scan3A_121 step %scan3A_122  : i32 {
        %get3A = arith.index_cast %scan3A_250 : i32 to index
        %get3A_251 = arith.constant 0 : index
        %get3A_252 = tpu.vector_load %arg6[%get3A, %get3A_251] {strides = array<i32>} : memref<128x64xf32, #tpu.memory_space<vmem>>, vector<1x16xf32>,
        %get3A_253 = vector.shape_cast %get3A_252 : vector<1x16xf32> to vector<16xf32>
        %mul3A_254 = arith.constant 8.000000e+00 : f32
        %mul3A_255 = vector.broadcast %mul3A_254 : f32 to vector<16xf32>
        %mul3A_256 = arith.mulf %get3A_253, %mul3A_255 : vector<16xf32>
        %swap3A = arith.index_cast %scan3A_250 : i32 to index
        %swap3A_257 = arith.constant 0 : index
        %swap3A_258 = tpu.vector_load %arg6[%swap3A, %swap3A_257] {strides = array<i32>} : memref<128x64xf32, #tpu.memory_space<vmem>>, vector<1x16xf32>,
        %swap3A_259 = vector.shape_cast %swap3A_258 : vector<1x16xf32> to vector<16xf32>
        %swap3A_260 = vector.shape_cast %mul3A_256 : vector<16xf32> to vector<1x16xf32>
        tpu.vector_store %arg6[%swap3A, %swap3A_257], %swap3A_260 {strides = array<i32>} : memref<128x64xf32, #tpu.memory_space<vmem>>, vector<1x16xf32>,
        %get3A_261 = arith.index_cast %scan3A_250 : i32 to index
        %get3A_262 = arith.constant 16 : index
        %get3A_263 = tpu.vector_load %arg6[%get3A_261, %get3A_262] {strides = array<i32>} : memref<128x64xf32, #tpu.memory_space<vmem>>, vector<1x16xf32>,
        %get3A_264 = vector.shape_cast %get3A_263 : vector<1x16xf32> to vector<16xf32>
        %mul3A_265 = arith.constant 8.000000e+00 : f32
        %mul3A_266 = vector.broadcast %mul3A_265 : f32 to vector<16xf32>
        %mul3A_267 = arith.mulf %get3A_264, %mul3A_266 : vector<16xf32>
        %swap3A_268 = arith.index_cast %scan3A_250 : i32 to index
        %swap3A_269 = arith.constant 16 : index
        %swap3A_270 = tpu.vector_load %arg6[%swap3A_268, %swap3A_269] {strides = array<i32>} : memref<128x64xf32, #tpu.memory_space<vmem>>, vector<1x16xf32>,
        %swap3A_271 = vector.shape_cast %swap3A_270 : vector<1x16xf32> to vector<16xf32>
        %swap3A_272 = vector.shape_cast %mul3A_267 : vector<16xf32> to vector<1x16xf32>
        tpu.vector_store %arg6[%swap3A_268, %swap3A_269], %swap3A_272 {strides = array<i32>} : memref<128x64xf32, #tpu.memory_space<vmem>>, vector<1x16xf32>,
        %get3A_273 = arith.index_cast %scan3A_250 : i32 to index
        %get3A_274 = arith.constant 32 : index
        %get3A_275 = tpu.vector_load %arg6[%get3A_273, %get3A_274] {strides = array<i32>} : memref<128x64xf32, #tpu.memory_space<vmem>>, vector<1x16xf32>,
        %get3A_276 = vector.shape_cast %get3A_275 : vector<1x16xf32> to vector<16xf32>
        %mul3A_277 = arith.constant 8.000000e+00 : f32
        %mul3A_278 = vector.broadcast %mul3A_277 : f32 to vector<16xf32>
        %mul3A_279 = arith.mulf %get3A_276, %mul3A_278 : vector<16xf32>
        %swap3A_280 = arith.index_cast %scan3A_250 : i32 to index
        %swap3A_281 = arith.constant 32 : index
        %swap3A_282 = tpu.vector_load %arg6[%swap3A_280, %swap3A_281] {strides = array<i32>} : memref<128x64xf32, #tpu.memory_space<vmem>>, vector<1x16xf32>,
        %swap3A_283 = vector.shape_cast %swap3A_282 : vector<1x16xf32> to vector<16xf32>
        %swap3A_284 = vector.shape_cast %mul3A_279 : vector<16xf32> to vector<1x16xf32>
        tpu.vector_store %arg6[%swap3A_280, %swap3A_281], %swap3A_284 {strides = array<i32>} : memref<128x64xf32, #tpu.memory_space<vmem>>, vector<1x16xf32>,
        %get3A_285 = arith.index_cast %scan3A_250 : i32 to index
        %get3A_286 = arith.constant 48 : index
        %get3A_287 = tpu.vector_load %arg6[%get3A_285, %get3A_286] {strides = array<i32>} : memref<128x64xf32, #tpu.memory_space<vmem>>, vector<1x16xf32>,
        %get3A_288 = vector.shape_cast %get3A_287 : vector<1x16xf32> to vector<16xf32>
        %mul3A_289 = arith.constant 8.000000e+00 : f32
        %mul3A_290 = vector.broadcast %mul3A_289 : f32 to vector<16xf32>
        %mul3A_291 = arith.mulf %get3A_288, %mul3A_290 : vector<16xf32>
        %swap3A_292 = arith.index_cast %scan3A_250 : i32 to index
        %swap3A_293 = arith.constant 48 : index
        %swap3A_294 = tpu.vector_load %arg6[%swap3A_292, %swap3A_293] {strides = array<i32>} : memref<128x64xf32, #tpu.memory_space<vmem>>, vector<1x16xf32>,
        %swap3A_295 = vector.shape_cast %swap3A_294 : vector<1x16xf32> to vector<16xf32>
        %swap3A_296 = vector.shape_cast %mul3A_291 : vector<16xf32> to vector<1x16xf32>
        tpu.vector_store %arg6[%swap3A_292, %swap3A_293], %swap3A_296 {strides = array<i32>} : memref<128x64xf32, #tpu.memory_space<vmem>>, vector<1x16xf32>,
        %scan3A_297 = arith.constant 1 : i32
        %scan3A_298 = arith.addi %scan3A_250, %scan3A_297 : i32
        %get3A_299 = arith.index_cast %scan3A_298 : i32 to index
        %get3A_300 = arith.constant 0 : index
        %get3A_301 = tpu.vector_load %arg6[%get3A_299, %get3A_300] {strides = array<i32>} : memref<128x64xf32, #tpu.memory_space<vmem>>, vector<1x16xf32>,
        %get3A_302 = vector.shape_cast %get3A_301 : vector<1x16xf32> to vector<16xf32>
        %mul3A_303 = arith.constant 8.000000e+00 : f32
        %mul3A_304 = vector.broadcast %mul3A_303 : f32 to vector<16xf32>
        %mul3A_305 = arith.mulf %get3A_302, %mul3A_304 : vector<16xf32>
        %swap3A_306 = arith.index_cast %scan3A_298 : i32 to index
        %swap3A_307 = arith.constant 0 : index
        %swap3A_308 = tpu.vector_load %arg6[%swap3A_306, %swap3A_307] {strides = array<i32>} : memref<128x64xf32, #tpu.memory_space<vmem>>, vector<1x16xf32>,
        %swap3A_309 = vector.shape_cast %swap3A_308 : vector<1x16xf32> to vector<16xf32>
        %swap3A_310 = vector.shape_cast %mul3A_305 : vector<16xf32> to vector<1x16xf32>
        tpu.vector_store %arg6[%swap3A_306, %swap3A_307], %swap3A_310 {strides = array<i32>} : memref<128x64xf32, #tpu.memory_space<vmem>>, vector<1x16xf32>,
        %get3A_311 = arith.index_cast %scan3A_298 : i32 to index
        %get3A_312 = arith.constant 16 : index
        %get3A_313 = tpu.vector_load %arg6[%get3A_311, %get3A_312] {strides = array<i32>} : memref<128x64xf32, #tpu.memory_space<vmem>>, vector<1x16xf32>,
        %get3A_314 = vector.shape_cast %get3A_313 : vector<1x16xf32> to vector<16xf32>
        %mul3A_315 = arith.constant 8.000000e+00 : f32
        %mul3A_316 = vector.broadcast %mul3A_315 : f32 to vector<16xf32>
        %mul3A_317 = arith.mulf %get3A_314, %mul3A_316 : vector<16xf32>
        %swap3A_318 = arith.index_cast %scan3A_298 : i32 to index
        %swap3A_319 = arith.constant 16 : index
        %swap3A_320 = tpu.vector_load %arg6[%swap3A_318, %swap3A_319] {strides = array<i32>} : memref<128x64xf32, #tpu.memory_space<vmem>>, vector<1x16xf32>,
        %swap3A_321 = vector.shape_cast %swap3A_320 : vector<1x16xf32> to vector<16xf32>
        %swap3A_322 = vector.shape_cast %mul3A_317 : vector<16xf32> to vector<1x16xf32>
        tpu.vector_store %arg6[%swap3A_318, %swap3A_319], %swap3A_322 {strides = array<i32>} : memref<128x64xf32, #tpu.memory_space<vmem>>, vector<1x16xf32>,
        %get3A_323 = arith.index_cast %scan3A_298 : i32 to index
        %get3A_324 = arith.constant 32 : index
        %get3A_325 = tpu.vector_load %arg6[%get3A_323, %get3A_324] {strides = array<i32>} : memref<128x64xf32, #tpu.memory_space<vmem>>, vector<1x16xf32>,
        %get3A_326 = vector.shape_cast %get3A_325 : vector<1x16xf32> to vector<16xf32>
        %mul3A_327 = arith.constant 8.000000e+00 : f32
        %mul3A_328 = vector.broadcast %mul3A_327 : f32 to vector<16xf32>
        %mul3A_329 = arith.mulf %get3A_326, %mul3A_328 : vector<16xf32>
        %swap3A_330 = arith.index_cast %scan3A_298 : i32 to index
        %swap3A_331 = arith.constant 32 : index
        %swap3A_332 = tpu.vector_load %arg6[%swap3A_330, %swap3A_331] {strides = array<i32>} : memref<128x64xf32, #tpu.memory_space<vmem>>, vector<1x16xf32>,
        %swap3A_333 = vector.shape_cast %swap3A_332 : vector<1x16xf32> to vector<16xf32>
        %swap3A_334 = vector.shape_cast %mul3A_329 : vector<16xf32> to vector<1x16xf32>
        tpu.vector_store %arg6[%swap3A_330, %swap3A_331], %swap3A_334 {strides = array<i32>} : memref<128x64xf32, #tpu.memory_space<vmem>>, vector<1x16xf32>,
        %get3A_335 = arith.index_cast %scan3A_298 : i32 to index
        %get3A_336 = arith.constant 48 : index
        %get3A_337 = tpu.vector_load %arg6[%get3A_335, %get3A_336] {strides = array<i32>} : memref<128x64xf32, #tpu.memory_space<vmem>>, vector<1x16xf32>,
        %get3A_338 = vector.shape_cast %get3A_337 : vector<1x16xf32> to vector<16xf32>
        %mul3A_339 = arith.constant 8.000000e+00 : f32
        %mul3A_340 = vector.broadcast %mul3A_339 : f32 to vector<16xf32>
        %mul3A_341 = arith.mulf %get3A_338, %mul3A_340 : vector<16xf32>
        %swap3A_342 = arith.index_cast %scan3A_298 : i32 to index
        %swap3A_343 = arith.constant 48 : index
        %swap3A_344 = tpu.vector_load %arg6[%swap3A_342, %swap3A_343] {strides = array<i32>} : memref<128x64xf32, #tpu.memory_space<vmem>>, vector<1x16xf32>,
        %swap3A_345 = vector.shape_cast %swap3A_344 : vector<1x16xf32> to vector<16xf32>
        %swap3A_346 = vector.shape_cast %mul3A_341 : vector<16xf32> to vector<1x16xf32>
        tpu.vector_store %arg6[%swap3A_342, %swap3A_343], %swap3A_346 {strides = array<i32>} : memref<128x64xf32, #tpu.memory_space<vmem>>, vector<1x16xf32>,
      }
      %scan3A_123 = arith.constant 128 : i32
      %add3A_124 = arith.addi %mul3A_2, %mul3A_59 : i32
      %add3A_125 = arith.constant 0 : i32
      %add3A_126 = arith.addi %add3A_124, %add3A_125 : i32
      %dma_start3A_127 = arith.constant 0 : i32
      %dma_start3A_128 = tpu.memref_slice %arg4[%add3A_126, %dma_start3A_127] : memref<819200x64xf32, #tpu.memory_space<hbm>> -> memref<128x64xf32, #tpu.memory_space<hbm>>
      %dma_start3A_129 = arith.constant 0 : i32
      %dma_start3A_130 = tpu.memref_slice %arg4[%add3A_126, %dma_start3A_129] : memref<819200x64xf32, #tpu.memory_space<hbm>> -> memref<128x64xf32, #tpu.memory_space<hbm>>
      tpu.enqueue_dma source(%arg6 : memref<128x64xf32, #tpu.memory_space<vmem>>) target(%dma_start3A_130 : memref<128x64xf32, #tpu.memory_space<hbm>>) target_semaphore(%arg22 : memref<!tpu.dma_semaphore, #tpu.memory_space<semaphore_mem>>)
      %dma_wait3A_131 = tpu.memref_slice %arg5[%add3A_68] : memref<25600xi32, #tpu.memory_space<vmem>> -> memref<128xi32, #tpu.memory_space<vmem>>
      %dma_wait3A_132 = arith.constant 0 : i32
      %dma_wait3A_133 = arith.constant 0 : i32
      %dma_wait3A_134 = tpu.memref_slice %arg3[%dma_wait3A_132, %dma_wait3A_133] : memref<1000000x64xf32, #tpu.memory_space<hbm>> -> memref<1000000x64xf32, #tpu.memory_space<hbm>>
      tpu.wait_indirect_dma semaphore(%arg15 : memref<!tpu.dma_semaphore, #tpu.memory_space<semaphore_mem>>) src(%dma_wait3A_134 : memref<1000000x64xf32, #tpu.memory_space<hbm>>) dst(%arg7 : memref<128x64xf32, #tpu.memory_space<vmem>>)
      %scan3A_135 = arith.constant 0 : i32
      %scan3A_136 = arith.constant 0 : i32
      %scan3A_137 = arith.constant 128 : i32
      %scan3A_138 = arith.addi %scan3A_136, %scan3A_137 : i32
      %scan3A_139 = arith.constant 2 : i32
      scf.for %scan3A_250 = %scan3A_136 to %scan3A_138 step %scan3A_139  : i32 {
        %get3A = arith.index_cast %scan3A_250 : i32 to index
        %get3A_251 = arith.constant 0 : index
        %get3A_252 = tpu.vector_load %arg7[%get3A, %get3A_251] {strides = array<i32>} : memref<128x64xf32, #tpu.memory_space<vmem>>, vector<1x16xf32>,
        %get3A_253 = vector.shape_cast %get3A_252 : vector<1x16xf32> to vector<16xf32>
        %mul3A_254 = arith.constant 8.000000e+00 : f32
        %mul3A_255 = vector.broadcast %mul3A_254 : f32 to vector<16xf32>
        %mul3A_256 = arith.mulf %get3A_253, %mul3A_255 : vector<16xf32>
        %swap3A = arith.index_cast %scan3A_250 : i32 to index
        %swap3A_257 = arith.constant 0 : index
        %swap3A_258 = tpu.vector_load %arg7[%swap3A, %swap3A_257] {strides = array<i32>} : memref<128x64xf32, #tpu.memory_space<vmem>>, vector<1x16xf32>,
        %swap3A_259 = vector.shape_cast %swap3A_258 : vector<1x16xf32> to vector<16xf32>
        %swap3A_260 = vector.shape_cast %mul3A_256 : vector<16xf32> to vector<1x16xf32>
        tpu.vector_store %arg7[%swap3A, %swap3A_257], %swap3A_260 {strides = array<i32>} : memref<128x64xf32, #tpu.memory_space<vmem>>, vector<1x16xf32>,
        %get3A_261 = arith.index_cast %scan3A_250 : i32 to index
        %get3A_262 = arith.constant 16 : index
        %get3A_263 = tpu.vector_load %arg7[%get3A_261, %get3A_262] {strides = array<i32>} : memref<128x64xf32, #tpu.memory_space<vmem>>, vector<1x16xf32>,
        %get3A_264 = vector.shape_cast %get3A_263 : vector<1x16xf32> to vector<16xf32>
        %mul3A_265 = arith.constant 8.000000e+00 : f32
        %mul3A_266 = vector.broadcast %mul3A_265 : f32 to vector<16xf32>
        %mul3A_267 = arith.mulf %get3A_264, %mul3A_266 : vector<16xf32>
        %swap3A_268 = arith.index_cast %scan3A_250 : i32 to index
        %swap3A_269 = arith.constant 16 : index
        %swap3A_270 = tpu.vector_load %arg7[%swap3A_268, %swap3A_269] {strides = array<i32>} : memref<128x64xf32, #tpu.memory_space<vmem>>, vector<1x16xf32>,
        %swap3A_271 = vector.shape_cast %swap3A_270 : vector<1x16xf32> to vector<16xf32>
        %swap3A_272 = vector.shape_cast %mul3A_267 : vector<16xf32> to vector<1x16xf32>
        tpu.vector_store %arg7[%swap3A_268, %swap3A_269], %swap3A_272 {strides = array<i32>} : memref<128x64xf32, #tpu.memory_space<vmem>>, vector<1x16xf32>,
        %get3A_273 = arith.index_cast %scan3A_250 : i32 to index
        %get3A_274 = arith.constant 32 : index
        %get3A_275 = tpu.vector_load %arg7[%get3A_273, %get3A_274] {strides = array<i32>} : memref<128x64xf32, #tpu.memory_space<vmem>>, vector<1x16xf32>,
        %get3A_276 = vector.shape_cast %get3A_275 : vector<1x16xf32> to vector<16xf32>
        %mul3A_277 = arith.constant 8.000000e+00 : f32
        %mul3A_278 = vector.broadcast %mul3A_277 : f32 to vector<16xf32>
        %mul3A_279 = arith.mulf %get3A_276, %mul3A_278 : vector<16xf32>
        %swap3A_280 = arith.index_cast %scan3A_250 : i32 to index
        %swap3A_281 = arith.constant 32 : index
        %swap3A_282 = tpu.vector_load %arg7[%swap3A_280, %swap3A_281] {strides = array<i32>} : memref<128x64xf32, #tpu.memory_space<vmem>>, vector<1x16xf32>,
        %swap3A_283 = vector.shape_cast %swap3A_282 : vector<1x16xf32> to vector<16xf32>
        %swap3A_284 = vector.shape_cast %mul3A_279 : vector<16xf32> to vector<1x16xf32>
        tpu.vector_store %arg7[%swap3A_280, %swap3A_281], %swap3A_284 {strides = array<i32>} : memref<128x64xf32, #tpu.memory_space<vmem>>, vector<1x16xf32>,
        %get3A_285 = arith.index_cast %scan3A_250 : i32 to index
        %get3A_286 = arith.constant 48 : index
        %get3A_287 = tpu.vector_load %arg7[%get3A_285, %get3A_286] {strides = array<i32>} : memref<128x64xf32, #tpu.memory_space<vmem>>, vector<1x16xf32>,
        %get3A_288 = vector.shape_cast %get3A_287 : vector<1x16xf32> to vector<16xf32>
        %mul3A_289 = arith.constant 8.000000e+00 : f32
        %mul3A_290 = vector.broadcast %mul3A_289 : f32 to vector<16xf32>
        %mul3A_291 = arith.mulf %get3A_288, %mul3A_290 : vector<16xf32>
        %swap3A_292 = arith.index_cast %scan3A_250 : i32 to index
        %swap3A_293 = arith.constant 48 : index
        %swap3A_294 = tpu.vector_load %arg7[%swap3A_292, %swap3A_293] {strides = array<i32>} : memref<128x64xf32, #tpu.memory_space<vmem>>, vector<1x16xf32>,
        %swap3A_295 = vector.shape_cast %swap3A_294 : vector<1x16xf32> to vector<16xf32>
        %swap3A_296 = vector.shape_cast %mul3A_291 : vector<16xf32> to vector<1x16xf32>
        tpu.vector_store %arg7[%swap3A_292, %swap3A_293], %swap3A_296 {strides = array<i32>} : memref<128x64xf32, #tpu.memory_space<vmem>>, vector<1x16xf32>,
        %scan3A_297 = arith.constant 1 : i32
        %scan3A_298 = arith.addi %scan3A_250, %scan3A_297 : i32
        %get3A_299 = arith.index_cast %scan3A_298 : i32 to index
        %get3A_300 = arith.constant 0 : index
        %get3A_301 = tpu.vector_load %arg7[%get3A_299, %get3A_300] {strides = array<i32>} : memref<128x64xf32, #tpu.memory_space<vmem>>, vector<1x16xf32>,
        %get3A_302 = vector.shape_cast %get3A_301 : vector<1x16xf32> to vector<16xf32>
        %mul3A_303 = arith.constant 8.000000e+00 : f32
        %mul3A_304 = vector.broadcast %mul3A_303 : f32 to vector<16xf32>
        %mul3A_305 = arith.mulf %get3A_302, %mul3A_304 : vector<16xf32>
        %swap3A_306 = arith.index_cast %scan3A_298 : i32 to index
        %swap3A_307 = arith.constant 0 : index
        %swap3A_308 = tpu.vector_load %arg7[%swap3A_306, %swap3A_307] {strides = array<i32>} : memref<128x64xf32, #tpu.memory_space<vmem>>, vector<1x16xf32>,
        %swap3A_309 = vector.shape_cast %swap3A_308 : vector<1x16xf32> to vector<16xf32>
        %swap3A_310 = vector.shape_cast %mul3A_305 : vector<16xf32> to vector<1x16xf32>
        tpu.vector_store %arg7[%swap3A_306, %swap3A_307], %swap3A_310 {strides = array<i32>} : memref<128x64xf32, #tpu.memory_space<vmem>>, vector<1x16xf32>,
        %get3A_311 = arith.index_cast %scan3A_298 : i32 to index
        %get3A_312 = arith.constant 16 : index
        %get3A_313 = tpu.vector_load %arg7[%get3A_311, %get3A_312] {strides = array<i32>} : memref<128x64xf32, #tpu.memory_space<vmem>>, vector<1x16xf32>,
        %get3A_314 = vector.shape_cast %get3A_313 : vector<1x16xf32> to vector<16xf32>
        %mul3A_315 = arith.constant 8.000000e+00 : f32
        %mul3A_316 = vector.broadcast %mul3A_315 : f32 to vector<16xf32>
        %mul3A_317 = arith.mulf %get3A_314, %mul3A_316 : vector<16xf32>
        %swap3A_318 = arith.index_cast %scan3A_298 : i32 to index
        %swap3A_319 = arith.constant 16 : index
        %swap3A_320 = tpu.vector_load %arg7[%swap3A_318, %swap3A_319] {strides = array<i32>} : memref<128x64xf32, #tpu.memory_space<vmem>>, vector<1x16xf32>,
        %swap3A_321 = vector.shape_cast %swap3A_320 : vector<1x16xf32> to vector<16xf32>
        %swap3A_322 = vector.shape_cast %mul3A_317 : vector<16xf32> to vector<1x16xf32>
        tpu.vector_store %arg7[%swap3A_318, %swap3A_319], %swap3A_322 {strides = array<i32>} : memref<128x64xf32, #tpu.memory_space<vmem>>, vector<1x16xf32>,
        %get3A_323 = arith.index_cast %scan3A_298 : i32 to index
        %get3A_324 = arith.constant 32 : index
        %get3A_325 = tpu.vector_load %arg7[%get3A_323, %get3A_324] {strides = array<i32>} : memref<128x64xf32, #tpu.memory_space<vmem>>, vector<1x16xf32>,
        %get3A_326 = vector.shape_cast %get3A_325 : vector<1x16xf32> to vector<16xf32>
        %mul3A_327 = arith.constant 8.000000e+00 : f32
        %mul3A_328 = vector.broadcast %mul3A_327 : f32 to vector<16xf32>
        %mul3A_329 = arith.mulf %get3A_326, %mul3A_328 : vector<16xf32>
        %swap3A_330 = arith.index_cast %scan3A_298 : i32 to index
        %swap3A_331 = arith.constant 32 : index
        %swap3A_332 = tpu.vector_load %arg7[%swap3A_330, %swap3A_331] {strides = array<i32>} : memref<128x64xf32, #tpu.memory_space<vmem>>, vector<1x16xf32>,
        %swap3A_333 = vector.shape_cast %swap3A_332 : vector<1x16xf32> to vector<16xf32>
        %swap3A_334 = vector.shape_cast %mul3A_329 : vector<16xf32> to vector<1x16xf32>
        tpu.vector_store %arg7[%swap3A_330, %swap3A_331], %swap3A_334 {strides = array<i32>} : memref<128x64xf32, #tpu.memory_space<vmem>>, vector<1x16xf32>,
        %get3A_335 = arith.index_cast %scan3A_298 : i32 to index
        %get3A_336 = arith.constant 48 : index
        %get3A_337 = tpu.vector_load %arg7[%get3A_335, %get3A_336] {strides = array<i32>} : memref<128x64xf32, #tpu.memory_space<vmem>>, vector<1x16xf32>,
        %get3A_338 = vector.shape_cast %get3A_337 : vector<1x16xf32> to vector<16xf32>
        %mul3A_339 = arith.constant 8.000000e+00 : f32
        %mul3A_340 = vector.broadcast %mul3A_339 : f32 to vector<16xf32>
        %mul3A_341 = arith.mulf %get3A_338, %mul3A_340 : vector<16xf32>
        %swap3A_342 = arith.index_cast %scan3A_298 : i32 to index
        %swap3A_343 = arith.constant 48 : index
        %swap3A_344 = tpu.vector_load %arg7[%swap3A_342, %swap3A_343] {strides = array<i32>} : memref<128x64xf32, #tpu.memory_space<vmem>>, vector<1x16xf32>,
        %swap3A_345 = vector.shape_cast %swap3A_344 : vector<1x16xf32> to vector<16xf32>
        %swap3A_346 = vector.shape_cast %mul3A_341 : vector<16xf32> to vector<1x16xf32>
        tpu.vector_store %arg7[%swap3A_342, %swap3A_343], %swap3A_346 {strides = array<i32>} : memref<128x64xf32, #tpu.memory_space<vmem>>, vector<1x16xf32>,
      }
      %scan3A_140 = arith.constant 128 : i32
      %add3A_141 = arith.addi %mul3A_2, %mul3A_59 : i32
      %add3A_142 = arith.constant 128 : i32
      %add3A_143 = arith.addi %add3A_141, %add3A_142 : i32
      %dma_start3A_144 = arith.constant 0 : i32
      %dma_start3A_145 = tpu.memref_slice %arg4[%add3A_143, %dma_start3A_144] : memref<819200x64xf32, #tpu.memory_space<hbm>> -> memref<128x64xf32, #tpu.memory_space<hbm>>
      %dma_start3A_146 = arith.constant 0 : i32
      %dma_start3A_147 = tpu.memref_slice %arg4[%add3A_143, %dma_start3A_146] : memref<819200x64xf32, #tpu.memory_space<hbm>> -> memref<128x64xf32, #tpu.memory_space<hbm>>
      tpu.enqueue_dma source(%arg7 : memref<128x64xf32, #tpu.memory_space<vmem>>) target(%dma_start3A_147 : memref<128x64xf32, #tpu.memory_space<hbm>>) target_semaphore(%arg22 : memref<!tpu.dma_semaphore, #tpu.memory_space<semaphore_mem>>)
      %dma_wait3A_148 = tpu.memref_slice %arg5[%add3A_74] : memref<25600xi32, #tpu.memory_space<vmem>> -> memref<128xi32, #tpu.memory_space<vmem>>
      %dma_wait3A_149 = arith.constant 0 : i32
      %dma_wait3A_150 = arith.constant 0 : i32
      %dma_wait3A_151 = tpu.memref_slice %arg3[%dma_wait3A_149, %dma_wait3A_150] : memref<1000000x64xf32, #tpu.memory_space<hbm>> -> memref<1000000x64xf32, #tpu.memory_space<hbm>>
      tpu.wait_indirect_dma semaphore(%arg16 : memref<!tpu.dma_semaphore, #tpu.memory_space<semaphore_mem>>) src(%dma_wait3A_151 : memref<1000000x64xf32, #tpu.memory_space<hbm>>) dst(%arg8 : memref<128x64xf32, #tpu.memory_space<vmem>>)
      %scan3A_152 = arith.constant 0 : i32
      %scan3A_153 = arith.constant 0 : i32
      %scan3A_154 = arith.constant 128 : i32
      %scan3A_155 = arith.addi %scan3A_153, %scan3A_154 : i32
      %scan3A_156 = arith.constant 2 : i32
      scf.for %scan3A_250 = %scan3A_153 to %scan3A_155 step %scan3A_156  : i32 {
        %get3A = arith.index_cast %scan3A_250 : i32 to index
        %get3A_251 = arith.constant 0 : index
        %get3A_252 = tpu.vector_load %arg8[%get3A, %get3A_251] {strides = array<i32>} : memref<128x64xf32, #tpu.memory_space<vmem>>, vector<1x16xf32>,
        %get3A_253 = vector.shape_cast %get3A_252 : vector<1x16xf32> to vector<16xf32>
        %mul3A_254 = arith.constant 8.000000e+00 : f32
        %mul3A_255 = vector.broadcast %mul3A_254 : f32 to vector<16xf32>
        %mul3A_256 = arith.mulf %get3A_253, %mul3A_255 : vector<16xf32>
        %swap3A = arith.index_cast %scan3A_250 : i32 to index
        %swap3A_257 = arith.constant 0 : index
        %swap3A_258 = tpu.vector_load %arg8[%swap3A, %swap3A_257] {strides = array<i32>} : memref<128x64xf32, #tpu.memory_space<vmem>>, vector<1x16xf32>,
        %swap3A_259 = vector.shape_cast %swap3A_258 : vector<1x16xf32> to vector<16xf32>
        %swap3A_260 = vector.shape_cast %mul3A_256 : vector<16xf32> to vector<1x16xf32>
        tpu.vector_store %arg8[%swap3A, %swap3A_257], %swap3A_260 {strides = array<i32>} : memref<128x64xf32, #tpu.memory_space<vmem>>, vector<1x16xf32>,
        %get3A_261 = arith.index_cast %scan3A_250 : i32 to index
        %get3A_262 = arith.constant 16 : index
        %get3A_263 = tpu.vector_load %arg8[%get3A_261, %get3A_262] {strides = array<i32>} : memref<128x64xf32, #tpu.memory_space<vmem>>, vector<1x16xf32>,
        %get3A_264 = vector.shape_cast %get3A_263 : vector<1x16xf32> to vector<16xf32>
        %mul3A_265 = arith.constant 8.000000e+00 : f32
        %mul3A_266 = vector.broadcast %mul3A_265 : f32 to vector<16xf32>
        %mul3A_267 = arith.mulf %get3A_264, %mul3A_266 : vector<16xf32>
        %swap3A_268 = arith.index_cast %scan3A_250 : i32 to index
        %swap3A_269 = arith.constant 16 : index
        %swap3A_270 = tpu.vector_load %arg8[%swap3A_268, %swap3A_269] {strides = array<i32>} : memref<128x64xf32, #tpu.memory_space<vmem>>, vector<1x16xf32>,
        %swap3A_271 = vector.shape_cast %swap3A_270 : vector<1x16xf32> to vector<16xf32>
        %swap3A_272 = vector.shape_cast %mul3A_267 : vector<16xf32> to vector<1x16xf32>
        tpu.vector_store %arg8[%swap3A_268, %swap3A_269], %swap3A_272 {strides = array<i32>} : memref<128x64xf32, #tpu.memory_space<vmem>>, vector<1x16xf32>,
        %get3A_273 = arith.index_cast %scan3A_250 : i32 to index
        %get3A_274 = arith.constant 32 : index
        %get3A_275 = tpu.vector_load %arg8[%get3A_273, %get3A_274] {strides = array<i32>} : memref<128x64xf32, #tpu.memory_space<vmem>>, vector<1x16xf32>,
        %get3A_276 = vector.shape_cast %get3A_275 : vector<1x16xf32> to vector<16xf32>
        %mul3A_277 = arith.constant 8.000000e+00 : f32
        %mul3A_278 = vector.broadcast %mul3A_277 : f32 to vector<16xf32>
        %mul3A_279 = arith.mulf %get3A_276, %mul3A_278 : vector<16xf32>
        %swap3A_280 = arith.index_cast %scan3A_250 : i32 to index
        %swap3A_281 = arith.constant 32 : index
        %swap3A_282 = tpu.vector_load %arg8[%swap3A_280, %swap3A_281] {strides = array<i32>} : memref<128x64xf32, #tpu.memory_space<vmem>>, vector<1x16xf32>,
        %swap3A_283 = vector.shape_cast %swap3A_282 : vector<1x16xf32> to vector<16xf32>
        %swap3A_284 = vector.shape_cast %mul3A_279 : vector<16xf32> to vector<1x16xf32>
        tpu.vector_store %arg8[%swap3A_280, %swap3A_281], %swap3A_284 {strides = array<i32>} : memref<128x64xf32, #tpu.memory_space<vmem>>, vector<1x16xf32>,
        %get3A_285 = arith.index_cast %scan3A_250 : i32 to index
        %get3A_286 = arith.constant 48 : index
        %get3A_287 = tpu.vector_load %arg8[%get3A_285, %get3A_286] {strides = array<i32>} : memref<128x64xf32, #tpu.memory_space<vmem>>, vector<1x16xf32>,
        %get3A_288 = vector.shape_cast %get3A_287 : vector<1x16xf32> to vector<16xf32>
        %mul3A_289 = arith.constant 8.000000e+00 : f32
        %mul3A_290 = vector.broadcast %mul3A_289 : f32 to vector<16xf32>
        %mul3A_291 = arith.mulf %get3A_288, %mul3A_290 : vector<16xf32>
        %swap3A_292 = arith.index_cast %scan3A_250 : i32 to index
        %swap3A_293 = arith.constant 48 : index
        %swap3A_294 = tpu.vector_load %arg8[%swap3A_292, %swap3A_293] {strides = array<i32>} : memref<128x64xf32, #tpu.memory_space<vmem>>, vector<1x16xf32>,
        %swap3A_295 = vector.shape_cast %swap3A_294 : vector<1x16xf32> to vector<16xf32>
        %swap3A_296 = vector.shape_cast %mul3A_291 : vector<16xf32> to vector<1x16xf32>
        tpu.vector_store %arg8[%swap3A_292, %swap3A_293], %swap3A_296 {strides = array<i32>} : memref<128x64xf32, #tpu.memory_space<vmem>>, vector<1x16xf32>,
        %scan3A_297 = arith.constant 1 : i32
        %scan3A_298 = arith.addi %scan3A_250, %scan3A_297 : i32
        %get3A_299 = arith.index_cast %scan3A_298 : i32 to index
        %get3A_300 = arith.constant 0 : index
        %get3A_301 = tpu.vector_load %arg8[%get3A_299, %get3A_300] {strides = array<i32>} : memref<128x64xf32, #tpu.memory_space<vmem>>, vector<1x16xf32>,
        %get3A_302 = vector.shape_cast %get3A_301 : vector<1x16xf32> to vector<16xf32>
        %mul3A_303 = arith.constant 8.000000e+00 : f32
        %mul3A_304 = vector.broadcast %mul3A_303 : f32 to vector<16xf32>
        %mul3A_305 = arith.mulf %get3A_302, %mul3A_304 : vector<16xf32>
        %swap3A_306 = arith.index_cast %scan3A_298 : i32 to index
        %swap3A_307 = arith.constant 0 : index
        %swap3A_308 = tpu.vector_load %arg8[%swap3A_306, %swap3A_307] {strides = array<i32>} : memref<128x64xf32, #tpu.memory_space<vmem>>, vector<1x16xf32>,
        %swap3A_309 = vector.shape_cast %swap3A_308 : vector<1x16xf32> to vector<16xf32>
        %swap3A_310 = vector.shape_cast %mul3A_305 : vector<16xf32> to vector<1x16xf32>
        tpu.vector_store %arg8[%swap3A_306, %swap3A_307], %swap3A_310 {strides = array<i32>} : memref<128x64xf32, #tpu.memory_space<vmem>>, vector<1x16xf32>,
        %get3A_311 = arith.index_cast %scan3A_298 : i32 to index
        %get3A_312 = arith.constant 16 : index
        %get3A_313 = tpu.vector_load %arg8[%get3A_311, %get3A_312] {strides = array<i32>} : memref<128x64xf32, #tpu.memory_space<vmem>>, vector<1x16xf32>,
        %get3A_314 = vector.shape_cast %get3A_313 : vector<1x16xf32> to vector<16xf32>
        %mul3A_315 = arith.constant 8.000000e+00 : f32
        %mul3A_316 = vector.broadcast %mul3A_315 : f32 to vector<16xf32>
        %mul3A_317 = arith.mulf %get3A_314, %mul3A_316 : vector<16xf32>
        %swap3A_318 = arith.index_cast %scan3A_298 : i32 to index
        %swap3A_319 = arith.constant 16 : index
        %swap3A_320 = tpu.vector_load %arg8[%swap3A_318, %swap3A_319] {strides = array<i32>} : memref<128x64xf32, #tpu.memory_space<vmem>>, vector<1x16xf32>,
        %swap3A_321 = vector.shape_cast %swap3A_320 : vector<1x16xf32> to vector<16xf32>
        %swap3A_322 = vector.shape_cast %mul3A_317 : vector<16xf32> to vector<1x16xf32>
        tpu.vector_store %arg8[%swap3A_318, %swap3A_319], %swap3A_322 {strides = array<i32>} : memref<128x64xf32, #tpu.memory_space<vmem>>, vector<1x16xf32>,
        %get3A_323 = arith.index_cast %scan3A_298 : i32 to index
        %get3A_324 = arith.constant 32 : index
        %get3A_325 = tpu.vector_load %arg8[%get3A_323, %get3A_324] {strides = array<i32>} : memref<128x64xf32, #tpu.memory_space<vmem>>, vector<1x16xf32>,
        %get3A_326 = vector.shape_cast %get3A_325 : vector<1x16xf32> to vector<16xf32>
        %mul3A_327 = arith.constant 8.000000e+00 : f32
        %mul3A_328 = vector.broadcast %mul3A_327 : f32 to vector<16xf32>
        %mul3A_329 = arith.mulf %get3A_326, %mul3A_328 : vector<16xf32>
        %swap3A_330 = arith.index_cast %scan3A_298 : i32 to index
        %swap3A_331 = arith.constant 32 : index
        %swap3A_332 = tpu.vector_load %arg8[%swap3A_330, %swap3A_331] {strides = array<i32>} : memref<128x64xf32, #tpu.memory_space<vmem>>, vector<1x16xf32>,
        %swap3A_333 = vector.shape_cast %swap3A_332 : vector<1x16xf32> to vector<16xf32>
        %swap3A_334 = vector.shape_cast %mul3A_329 : vector<16xf32> to vector<1x16xf32>
        tpu.vector_store %arg8[%swap3A_330, %swap3A_331], %swap3A_334 {strides = array<i32>} : memref<128x64xf32, #tpu.memory_space<vmem>>, vector<1x16xf32>,
        %get3A_335 = arith.index_cast %scan3A_298 : i32 to index
        %get3A_336 = arith.constant 48 : index
        %get3A_337 = tpu.vector_load %arg8[%get3A_335, %get3A_336] {strides = array<i32>} : memref<128x64xf32, #tpu.memory_space<vmem>>, vector<1x16xf32>,
        %get3A_338 = vector.shape_cast %get3A_337 : vector<1x16xf32> to vector<16xf32>
        %mul3A_339 = arith.constant 8.000000e+00 : f32
        %mul3A_340 = vector.broadcast %mul3A_339 : f32 to vector<16xf32>
        %mul3A_341 = arith.mulf %get3A_338, %mul3A_340 : vector<16xf32>
        %swap3A_342 = arith.index_cast %scan3A_298 : i32 to index
        %swap3A_343 = arith.constant 48 : index
        %swap3A_344 = tpu.vector_load %arg8[%swap3A_342, %swap3A_343] {strides = array<i32>} : memref<128x64xf32, #tpu.memory_space<vmem>>, vector<1x16xf32>,
        %swap3A_345 = vector.shape_cast %swap3A_344 : vector<1x16xf32> to vector<16xf32>
        %swap3A_346 = vector.shape_cast %mul3A_341 : vector<16xf32> to vector<1x16xf32>
        tpu.vector_store %arg8[%swap3A_342, %swap3A_343], %swap3A_346 {strides = array<i32>} : memref<128x64xf32, #tpu.memory_space<vmem>>, vector<1x16xf32>,
      }
      %scan3A_157 = arith.constant 128 : i32
      %add3A_158 = arith.addi %mul3A_2, %mul3A_59 : i32
      %add3A_159 = arith.constant 256 : i32
      %add3A_160 = arith.addi %add3A_158, %add3A_159 : i32
      %dma_start3A_161 = arith.constant 0 : i32
      %dma_start3A_162 = tpu.memref_slice %arg4[%add3A_160, %dma_start3A_161] : memref<819200x64xf32, #tpu.memory_space<hbm>> -> memref<128x64xf32, #tpu.memory_space<hbm>>
      %dma_start3A_163 = arith.constant 0 : i32
      %dma_start3A_164 = tpu.memref_slice %arg4[%add3A_160, %dma_start3A_163] : memref<819200x64xf32, #tpu.memory_space<hbm>> -> memref<128x64xf32, #tpu.memory_space<hbm>>
      tpu.enqueue_dma source(%arg8 : memref<128x64xf32, #tpu.memory_space<vmem>>) target(%dma_start3A_164 : memref<128x64xf32, #tpu.memory_space<hbm>>) target_semaphore(%arg22 : memref<!tpu.dma_semaphore, #tpu.memory_space<semaphore_mem>>)
      %dma_wait3A_165 = tpu.memref_slice %arg5[%add3A_80] : memref<25600xi32, #tpu.memory_space<vmem>> -> memref<128xi32, #tpu.memory_space<vmem>>
      %dma_wait3A_166 = arith.constant 0 : i32
      %dma_wait3A_167 = arith.constant 0 : i32
      %dma_wait3A_168 = tpu.memref_slice %arg3[%dma_wait3A_166, %dma_wait3A_167] : memref<1000000x64xf32, #tpu.memory_space<hbm>> -> memref<1000000x64xf32, #tpu.memory_space<hbm>>
      tpu.wait_indirect_dma semaphore(%arg17 : memref<!tpu.dma_semaphore, #tpu.memory_space<semaphore_mem>>) src(%dma_wait3A_168 : memref<1000000x64xf32, #tpu.memory_space<hbm>>) dst(%arg9 : memref<128x64xf32, #tpu.memory_space<vmem>>)
      %scan3A_169 = arith.constant 0 : i32
      %scan3A_170 = arith.constant 0 : i32
      %scan3A_171 = arith.constant 128 : i32
      %scan3A_172 = arith.addi %scan3A_170, %scan3A_171 : i32
      %scan3A_173 = arith.constant 2 : i32
      scf.for %scan3A_250 = %scan3A_170 to %scan3A_172 step %scan3A_173  : i32 {
        %get3A = arith.index_cast %scan3A_250 : i32 to index
        %get3A_251 = arith.constant 0 : index
        %get3A_252 = tpu.vector_load %arg9[%get3A, %get3A_251] {strides = array<i32>} : memref<128x64xf32, #tpu.memory_space<vmem>>, vector<1x16xf32>,
        %get3A_253 = vector.shape_cast %get3A_252 : vector<1x16xf32> to vector<16xf32>
        %mul3A_254 = arith.constant 8.000000e+00 : f32
        %mul3A_255 = vector.broadcast %mul3A_254 : f32 to vector<16xf32>
        %mul3A_256 = arith.mulf %get3A_253, %mul3A_255 : vector<16xf32>
        %swap3A = arith.index_cast %scan3A_250 : i32 to index
        %swap3A_257 = arith.constant 0 : index
        %swap3A_258 = tpu.vector_load %arg9[%swap3A, %swap3A_257] {strides = array<i32>} : memref<128x64xf32, #tpu.memory_space<vmem>>, vector<1x16xf32>,
        %swap3A_259 = vector.shape_cast %swap3A_258 : vector<1x16xf32> to vector<16xf32>
        %swap3A_260 = vector.shape_cast %mul3A_256 : vector<16xf32> to vector<1x16xf32>
        tpu.vector_store %arg9[%swap3A, %swap3A_257], %swap3A_260 {strides = array<i32>} : memref<128x64xf32, #tpu.memory_space<vmem>>, vector<1x16xf32>,
        %get3A_261 = arith.index_cast %scan3A_250 : i32 to index
        %get3A_262 = arith.constant 16 : index
        %get3A_263 = tpu.vector_load %arg9[%get3A_261, %get3A_262] {strides = array<i32>} : memref<128x64xf32, #tpu.memory_space<vmem>>, vector<1x16xf32>,
        %get3A_264 = vector.shape_cast %get3A_263 : vector<1x16xf32> to vector<16xf32>
        %mul3A_265 = arith.constant 8.000000e+00 : f32
        %mul3A_266 = vector.broadcast %mul3A_265 : f32 to vector<16xf32>
        %mul3A_267 = arith.mulf %get3A_264, %mul3A_266 : vector<16xf32>
        %swap3A_268 = arith.index_cast %scan3A_250 : i32 to index
        %swap3A_269 = arith.constant 16 : index
        %swap3A_270 = tpu.vector_load %arg9[%swap3A_268, %swap3A_269] {strides = array<i32>} : memref<128x64xf32, #tpu.memory_space<vmem>>, vector<1x16xf32>,
        %swap3A_271 = vector.shape_cast %swap3A_270 : vector<1x16xf32> to vector<16xf32>
        %swap3A_272 = vector.shape_cast %mul3A_267 : vector<16xf32> to vector<1x16xf32>
        tpu.vector_store %arg9[%swap3A_268, %swap3A_269], %swap3A_272 {strides = array<i32>} : memref<128x64xf32, #tpu.memory_space<vmem>>, vector<1x16xf32>,
        %get3A_273 = arith.index_cast %scan3A_250 : i32 to index
        %get3A_274 = arith.constant 32 : index
        %get3A_275 = tpu.vector_load %arg9[%get3A_273, %get3A_274] {strides = array<i32>} : memref<128x64xf32, #tpu.memory_space<vmem>>, vector<1x16xf32>,
        %get3A_276 = vector.shape_cast %get3A_275 : vector<1x16xf32> to vector<16xf32>
        %mul3A_277 = arith.constant 8.000000e+00 : f32
        %mul3A_278 = vector.broadcast %mul3A_277 : f32 to vector<16xf32>
        %mul3A_279 = arith.mulf %get3A_276, %mul3A_278 : vector<16xf32>
        %swap3A_280 = arith.index_cast %scan3A_250 : i32 to index
        %swap3A_281 = arith.constant 32 : index
        %swap3A_282 = tpu.vector_load %arg9[%swap3A_280, %swap3A_281] {strides = array<i32>} : memref<128x64xf32, #tpu.memory_space<vmem>>, vector<1x16xf32>,
        %swap3A_283 = vector.shape_cast %swap3A_282 : vector<1x16xf32> to vector<16xf32>
        %swap3A_284 = vector.shape_cast %mul3A_279 : vector<16xf32> to vector<1x16xf32>
        tpu.vector_store %arg9[%swap3A_280, %swap3A_281], %swap3A_284 {strides = array<i32>} : memref<128x64xf32, #tpu.memory_space<vmem>>, vector<1x16xf32>,
        %get3A_285 = arith.index_cast %scan3A_250 : i32 to index
        %get3A_286 = arith.constant 48 : index
        %get3A_287 = tpu.vector_load %arg9[%get3A_285, %get3A_286] {strides = array<i32>} : memref<128x64xf32, #tpu.memory_space<vmem>>, vector<1x16xf32>,
        %get3A_288 = vector.shape_cast %get3A_287 : vector<1x16xf32> to vector<16xf32>
        %mul3A_289 = arith.constant 8.000000e+00 : f32
        %mul3A_290 = vector.broadcast %mul3A_289 : f32 to vector<16xf32>
        %mul3A_291 = arith.mulf %get3A_288, %mul3A_290 : vector<16xf32>
        %swap3A_292 = arith.index_cast %scan3A_250 : i32 to index
        %swap3A_293 = arith.constant 48 : index
        %swap3A_294 = tpu.vector_load %arg9[%swap3A_292, %swap3A_293] {strides = array<i32>} : memref<128x64xf32, #tpu.memory_space<vmem>>, vector<1x16xf32>,
        %swap3A_295 = vector.shape_cast %swap3A_294 : vector<1x16xf32> to vector<16xf32>
        %swap3A_296 = vector.shape_cast %mul3A_291 : vector<16xf32> to vector<1x16xf32>
        tpu.vector_store %arg9[%swap3A_292, %swap3A_293], %swap3A_296 {strides = array<i32>} : memref<128x64xf32, #tpu.memory_space<vmem>>, vector<1x16xf32>,
        %scan3A_297 = arith.constant 1 : i32
        %scan3A_298 = arith.addi %scan3A_250, %scan3A_297 : i32
        %get3A_299 = arith.index_cast %scan3A_298 : i32 to index
        %get3A_300 = arith.constant 0 : index
        %get3A_301 = tpu.vector_load %arg9[%get3A_299, %get3A_300] {strides = array<i32>} : memref<128x64xf32, #tpu.memory_space<vmem>>, vector<1x16xf32>,
        %get3A_302 = vector.shape_cast %get3A_301 : vector<1x16xf32> to vector<16xf32>
        %mul3A_303 = arith.constant 8.000000e+00 : f32
        %mul3A_304 = vector.broadcast %mul3A_303 : f32 to vector<16xf32>
        %mul3A_305 = arith.mulf %get3A_302, %mul3A_304 : vector<16xf32>
        %swap3A_306 = arith.index_cast %scan3A_298 : i32 to index
        %swap3A_307 = arith.constant 0 : index
        %swap3A_308 = tpu.vector_load %arg9[%swap3A_306, %swap3A_307] {strides = array<i32>} : memref<128x64xf32, #tpu.memory_space<vmem>>, vector<1x16xf32>,
        %swap3A_309 = vector.shape_cast %swap3A_308 : vector<1x16xf32> to vector<16xf32>
        %swap3A_310 = vector.shape_cast %mul3A_305 : vector<16xf32> to vector<1x16xf32>
        tpu.vector_store %arg9[%swap3A_306, %swap3A_307], %swap3A_310 {strides = array<i32>} : memref<128x64xf32, #tpu.memory_space<vmem>>, vector<1x16xf32>,
        %get3A_311 = arith.index_cast %scan3A_298 : i32 to index
        %get3A_312 = arith.constant 16 : index
        %get3A_313 = tpu.vector_load %arg9[%get3A_311, %get3A_312] {strides = array<i32>} : memref<128x64xf32, #tpu.memory_space<vmem>>, vector<1x16xf32>,
        %get3A_314 = vector.shape_cast %get3A_313 : vector<1x16xf32> to vector<16xf32>
        %mul3A_315 = arith.constant 8.000000e+00 : f32
        %mul3A_316 = vector.broadcast %mul3A_315 : f32 to vector<16xf32>
        %mul3A_317 = arith.mulf %get3A_314, %mul3A_316 : vector<16xf32>
        %swap3A_318 = arith.index_cast %scan3A_298 : i32 to index
        %swap3A_319 = arith.constant 16 : index
        %swap3A_320 = tpu.vector_load %arg9[%swap3A_318, %swap3A_319] {strides = array<i32>} : memref<128x64xf32, #tpu.memory_space<vmem>>, vector<1x16xf32>,
        %swap3A_321 = vector.shape_cast %swap3A_320 : vector<1x16xf32> to vector<16xf32>
        %swap3A_322 = vector.shape_cast %mul3A_317 : vector<16xf32> to vector<1x16xf32>
        tpu.vector_store %arg9[%swap3A_318, %swap3A_319], %swap3A_322 {strides = array<i32>} : memref<128x64xf32, #tpu.memory_space<vmem>>, vector<1x16xf32>,
        %get3A_323 = arith.index_cast %scan3A_298 : i32 to index
        %get3A_324 = arith.constant 32 : index
        %get3A_325 = tpu.vector_load %arg9[%get3A_323, %get3A_324] {strides = array<i32>} : memref<128x64xf32, #tpu.memory_space<vmem>>, vector<1x16xf32>,
        %get3A_326 = vector.shape_cast %get3A_325 : vector<1x16xf32> to vector<16xf32>
        %mul3A_327 = arith.constant 8.000000e+00 : f32
        %mul3A_328 = vector.broadcast %mul3A_327 : f32 to vector<16xf32>
        %mul3A_329 = arith.mulf %get3A_326, %mul3A_328 : vector<16xf32>
        %swap3A_330 = arith.index_cast %scan3A_298 : i32 to index
        %swap3A_331 = arith.constant 32 : index
        %swap3A_332 = tpu.vector_load %arg9[%swap3A_330, %swap3A_331] {strides = array<i32>} : memref<128x64xf32, #tpu.memory_space<vmem>>, vector<1x16xf32>,
        %swap3A_333 = vector.shape_cast %swap3A_332 : vector<1x16xf32> to vector<16xf32>
        %swap3A_334 = vector.shape_cast %mul3A_329 : vector<16xf32> to vector<1x16xf32>
        tpu.vector_store %arg9[%swap3A_330, %swap3A_331], %swap3A_334 {strides = array<i32>} : memref<128x64xf32, #tpu.memory_space<vmem>>, vector<1x16xf32>,
        %get3A_335 = arith.index_cast %scan3A_298 : i32 to index
        %get3A_336 = arith.constant 48 : index
        %get3A_337 = tpu.vector_load %arg9[%get3A_335, %get3A_336] {strides = array<i32>} : memref<128x64xf32, #tpu.memory_space<vmem>>, vector<1x16xf32>,
        %get3A_338 = vector.shape_cast %get3A_337 : vector<1x16xf32> to vector<16xf32>
        %mul3A_339 = arith.constant 8.000000e+00 : f32
        %mul3A_340 = vector.broadcast %mul3A_339 : f32 to vector<16xf32>
        %mul3A_341 = arith.mulf %get3A_338, %mul3A_340 : vector<16xf32>
        %swap3A_342 = arith.index_cast %scan3A_298 : i32 to index
        %swap3A_343 = arith.constant 48 : index
        %swap3A_344 = tpu.vector_load %arg9[%swap3A_342, %swap3A_343] {strides = array<i32>} : memref<128x64xf32, #tpu.memory_space<vmem>>, vector<1x16xf32>,
        %swap3A_345 = vector.shape_cast %swap3A_344 : vector<1x16xf32> to vector<16xf32>
        %swap3A_346 = vector.shape_cast %mul3A_341 : vector<16xf32> to vector<1x16xf32>
        tpu.vector_store %arg9[%swap3A_342, %swap3A_343], %swap3A_346 {strides = array<i32>} : memref<128x64xf32, #tpu.memory_space<vmem>>, vector<1x16xf32>,
      }
      %scan3A_174 = arith.constant 128 : i32
      %add3A_175 = arith.addi %mul3A_2, %mul3A_59 : i32
      %add3A_176 = arith.constant 384 : i32
      %add3A_177 = arith.addi %add3A_175, %add3A_176 : i32
      %dma_start3A_178 = arith.constant 0 : i32
      %dma_start3A_179 = tpu.memref_slice %arg4[%add3A_177, %dma_start3A_178] : memref<819200x64xf32, #tpu.memory_space<hbm>> -> memref<128x64xf32, #tpu.memory_space<hbm>>
      %dma_start3A_180 = arith.constant 0 : i32
      %dma_start3A_181 = tpu.memref_slice %arg4[%add3A_177, %dma_start3A_180] : memref<819200x64xf32, #tpu.memory_space<hbm>> -> memref<128x64xf32, #tpu.memory_space<hbm>>
      tpu.enqueue_dma source(%arg9 : memref<128x64xf32, #tpu.memory_space<vmem>>) target(%dma_start3A_181 : memref<128x64xf32, #tpu.memory_space<hbm>>) target_semaphore(%arg22 : memref<!tpu.dma_semaphore, #tpu.memory_space<semaphore_mem>>)
      %dma_wait3A_182 = tpu.memref_slice %arg5[%add3A_91] : memref<25600xi32, #tpu.memory_space<vmem>> -> memref<128xi32, #tpu.memory_space<vmem>>
      %dma_wait3A_183 = arith.constant 0 : i32
      %dma_wait3A_184 = arith.constant 0 : i32
      %dma_wait3A_185 = tpu.memref_slice %arg3[%dma_wait3A_183, %dma_wait3A_184] : memref<1000000x64xf32, #tpu.memory_space<hbm>> -> memref<1000000x64xf32, #tpu.memory_space<hbm>>
      tpu.wait_indirect_dma semaphore(%arg18 : memref<!tpu.dma_semaphore, #tpu.memory_space<semaphore_mem>>) src(%dma_wait3A_185 : memref<1000000x64xf32, #tpu.memory_space<hbm>>) dst(%arg10 : memref<128x64xf32, #tpu.memory_space<vmem>>)
      %scan3A_186 = arith.constant 0 : i32
      %scan3A_187 = arith.constant 0 : i32
      %scan3A_188 = arith.constant 128 : i32
      %scan3A_189 = arith.addi %scan3A_187, %scan3A_188 : i32
      %scan3A_190 = arith.constant 2 : i32
      scf.for %scan3A_250 = %scan3A_187 to %scan3A_189 step %scan3A_190  : i32 {
        %get3A = arith.index_cast %scan3A_250 : i32 to index
        %get3A_251 = arith.constant 0 : index
        %get3A_252 = tpu.vector_load %arg10[%get3A, %get3A_251] {strides = array<i32>} : memref<128x64xf32, #tpu.memory_space<vmem>>, vector<1x16xf32>,
        %get3A_253 = vector.shape_cast %get3A_252 : vector<1x16xf32> to vector<16xf32>
        %mul3A_254 = arith.constant 8.000000e+00 : f32
        %mul3A_255 = vector.broadcast %mul3A_254 : f32 to vector<16xf32>
        %mul3A_256 = arith.mulf %get3A_253, %mul3A_255 : vector<16xf32>
        %swap3A = arith.index_cast %scan3A_250 : i32 to index
        %swap3A_257 = arith.constant 0 : index
        %swap3A_258 = tpu.vector_load %arg10[%swap3A, %swap3A_257] {strides = array<i32>} : memref<128x64xf32, #tpu.memory_space<vmem>>, vector<1x16xf32>,
        %swap3A_259 = vector.shape_cast %swap3A_258 : vector<1x16xf32> to vector<16xf32>
        %swap3A_260 = vector.shape_cast %mul3A_256 : vector<16xf32> to vector<1x16xf32>
        tpu.vector_store %arg10[%swap3A, %swap3A_257], %swap3A_260 {strides = array<i32>} : memref<128x64xf32, #tpu.memory_space<vmem>>, vector<1x16xf32>,
        %get3A_261 = arith.index_cast %scan3A_250 : i32 to index
        %get3A_262 = arith.constant 16 : index
        %get3A_263 = tpu.vector_load %arg10[%get3A_261, %get3A_262] {strides = array<i32>} : memref<128x64xf32, #tpu.memory_space<vmem>>, vector<1x16xf32>,
        %get3A_264 = vector.shape_cast %get3A_263 : vector<1x16xf32> to vector<16xf32>
        %mul3A_265 = arith.constant 8.000000e+00 : f32
        %mul3A_266 = vector.broadcast %mul3A_265 : f32 to vector<16xf32>
        %mul3A_267 = arith.mulf %get3A_264, %mul3A_266 : vector<16xf32>
        %swap3A_268 = arith.index_cast %scan3A_250 : i32 to index
        %swap3A_269 = arith.constant 16 : index
        %swap3A_270 = tpu.vector_load %arg10[%swap3A_268, %swap3A_269] {strides = array<i32>} : memref<128x64xf32, #tpu.memory_space<vmem>>, vector<1x16xf32>,
        %swap3A_271 = vector.shape_cast %swap3A_270 : vector<1x16xf32> to vector<16xf32>
        %swap3A_272 = vector.shape_cast %mul3A_267 : vector<16xf32> to vector<1x16xf32>
        tpu.vector_store %arg10[%swap3A_268, %swap3A_269], %swap3A_272 {strides = array<i32>} : memref<128x64xf32, #tpu.memory_space<vmem>>, vector<1x16xf32>,
        %get3A_273 = arith.index_cast %scan3A_250 : i32 to index
        %get3A_274 = arith.constant 32 : index
        %get3A_275 = tpu.vector_load %arg10[%get3A_273, %get3A_274] {strides = array<i32>} : memref<128x64xf32, #tpu.memory_space<vmem>>, vector<1x16xf32>,
        %get3A_276 = vector.shape_cast %get3A_275 : vector<1x16xf32> to vector<16xf32>
        %mul3A_277 = arith.constant 8.000000e+00 : f32
        %mul3A_278 = vector.broadcast %mul3A_277 : f32 to vector<16xf32>
        %mul3A_279 = arith.mulf %get3A_276, %mul3A_278 : vector<16xf32>
        %swap3A_280 = arith.index_cast %scan3A_250 : i32 to index
        %swap3A_281 = arith.constant 32 : index
        %swap3A_282 = tpu.vector_load %arg10[%swap3A_280, %swap3A_281] {strides = array<i32>} : memref<128x64xf32, #tpu.memory_space<vmem>>, vector<1x16xf32>,
        %swap3A_283 = vector.shape_cast %swap3A_282 : vector<1x16xf32> to vector<16xf32>
        %swap3A_284 = vector.shape_cast %mul3A_279 : vector<16xf32> to vector<1x16xf32>
        tpu.vector_store %arg10[%swap3A_280, %swap3A_281], %swap3A_284 {strides = array<i32>} : memref<128x64xf32, #tpu.memory_space<vmem>>, vector<1x16xf32>,
        %get3A_285 = arith.index_cast %scan3A_250 : i32 to index
        %get3A_286 = arith.constant 48 : index
        %get3A_287 = tpu.vector_load %arg10[%get3A_285, %get3A_286] {strides = array<i32>} : memref<128x64xf32, #tpu.memory_space<vmem>>, vector<1x16xf32>,
        %get3A_288 = vector.shape_cast %get3A_287 : vector<1x16xf32> to vector<16xf32>
        %mul3A_289 = arith.constant 8.000000e+00 : f32
        %mul3A_290 = vector.broadcast %mul3A_289 : f32 to vector<16xf32>
        %mul3A_291 = arith.mulf %get3A_288, %mul3A_290 : vector<16xf32>
        %swap3A_292 = arith.index_cast %scan3A_250 : i32 to index
        %swap3A_293 = arith.constant 48 : index
        %swap3A_294 = tpu.vector_load %arg10[%swap3A_292, %swap3A_293] {strides = array<i32>} : memref<128x64xf32, #tpu.memory_space<vmem>>, vector<1x16xf32>,
        %swap3A_295 = vector.shape_cast %swap3A_294 : vector<1x16xf32> to vector<16xf32>
        %swap3A_296 = vector.shape_cast %mul3A_291 : vector<16xf32> to vector<1x16xf32>
        tpu.vector_store %arg10[%swap3A_292, %swap3A_293], %swap3A_296 {strides = array<i32>} : memref<128x64xf32, #tpu.memory_space<vmem>>, vector<1x16xf32>,
        %scan3A_297 = arith.constant 1 : i32
        %scan3A_298 = arith.addi %scan3A_250, %scan3A_297 : i32
        %get3A_299 = arith.index_cast %scan3A_298 : i32 to index
        %get3A_300 = arith.constant 0 : index
        %get3A_301 = tpu.vector_load %arg10[%get3A_299, %get3A_300] {strides = array<i32>} : memref<128x64xf32, #tpu.memory_space<vmem>>, vector<1x16xf32>,
        %get3A_302 = vector.shape_cast %get3A_301 : vector<1x16xf32> to vector<16xf32>
        %mul3A_303 = arith.constant 8.000000e+00 : f32
        %mul3A_304 = vector.broadcast %mul3A_303 : f32 to vector<16xf32>
        %mul3A_305 = arith.mulf %get3A_302, %mul3A_304 : vector<16xf32>
        %swap3A_306 = arith.index_cast %scan3A_298 : i32 to index
        %swap3A_307 = arith.constant 0 : index
        %swap3A_308 = tpu.vector_load %arg10[%swap3A_306, %swap3A_307] {strides = array<i32>} : memref<128x64xf32, #tpu.memory_space<vmem>>, vector<1x16xf32>,
        %swap3A_309 = vector.shape_cast %swap3A_308 : vector<1x16xf32> to vector<16xf32>
        %swap3A_310 = vector.shape_cast %mul3A_305 : vector<16xf32> to vector<1x16xf32>
        tpu.vector_store %arg10[%swap3A_306, %swap3A_307], %swap3A_310 {strides = array<i32>} : memref<128x64xf32, #tpu.memory_space<vmem>>, vector<1x16xf32>,
        %get3A_311 = arith.index_cast %scan3A_298 : i32 to index
        %get3A_312 = arith.constant 16 : index
        %get3A_313 = tpu.vector_load %arg10[%get3A_311, %get3A_312] {strides = array<i32>} : memref<128x64xf32, #tpu.memory_space<vmem>>, vector<1x16xf32>,
        %get3A_314 = vector.shape_cast %get3A_313 : vector<1x16xf32> to vector<16xf32>
        %mul3A_315 = arith.constant 8.000000e+00 : f32
        %mul3A_316 = vector.broadcast %mul3A_315 : f32 to vector<16xf32>
        %mul3A_317 = arith.mulf %get3A_314, %mul3A_316 : vector<16xf32>
        %swap3A_318 = arith.index_cast %scan3A_298 : i32 to index
        %swap3A_319 = arith.constant 16 : index
        %swap3A_320 = tpu.vector_load %arg10[%swap3A_318, %swap3A_319] {strides = array<i32>} : memref<128x64xf32, #tpu.memory_space<vmem>>, vector<1x16xf32>,
        %swap3A_321 = vector.shape_cast %swap3A_320 : vector<1x16xf32> to vector<16xf32>
        %swap3A_322 = vector.shape_cast %mul3A_317 : vector<16xf32> to vector<1x16xf32>
        tpu.vector_store %arg10[%swap3A_318, %swap3A_319], %swap3A_322 {strides = array<i32>} : memref<128x64xf32, #tpu.memory_space<vmem>>, vector<1x16xf32>,
        %get3A_323 = arith.index_cast %scan3A_298 : i32 to index
        %get3A_324 = arith.constant 32 : index
        %get3A_325 = tpu.vector_load %arg10[%get3A_323, %get3A_324] {strides = array<i32>} : memref<128x64xf32, #tpu.memory_space<vmem>>, vector<1x16xf32>,
        %get3A_326 = vector.shape_cast %get3A_325 : vector<1x16xf32> to vector<16xf32>
        %mul3A_327 = arith.constant 8.000000e+00 : f32
        %mul3A_328 = vector.broadcast %mul3A_327 : f32 to vector<16xf32>
        %mul3A_329 = arith.mulf %get3A_326, %mul3A_328 : vector<16xf32>
        %swap3A_330 = arith.index_cast %scan3A_298 : i32 to index
        %swap3A_331 = arith.constant 32 : index
        %swap3A_332 = tpu.vector_load %arg10[%swap3A_330, %swap3A_331] {strides = array<i32>} : memref<128x64xf32, #tpu.memory_space<vmem>>, vector<1x16xf32>,
        %swap3A_333 = vector.shape_cast %swap3A_332 : vector<1x16xf32> to vector<16xf32>
        %swap3A_334 = vector.shape_cast %mul3A_329 : vector<16xf32> to vector<1x16xf32>
        tpu.vector_store %arg10[%swap3A_330, %swap3A_331], %swap3A_334 {strides = array<i32>} : memref<128x64xf32, #tpu.memory_space<vmem>>, vector<1x16xf32>,
        %get3A_335 = arith.index_cast %scan3A_298 : i32 to index
        %get3A_336 = arith.constant 48 : index
        %get3A_337 = tpu.vector_load %arg10[%get3A_335, %get3A_336] {strides = array<i32>} : memref<128x64xf32, #tpu.memory_space<vmem>>, vector<1x16xf32>,
        %get3A_338 = vector.shape_cast %get3A_337 : vector<1x16xf32> to vector<16xf32>
        %mul3A_339 = arith.constant 8.000000e+00 : f32
        %mul3A_340 = vector.broadcast %mul3A_339 : f32 to vector<16xf32>
        %mul3A_341 = arith.mulf %get3A_338, %mul3A_340 : vector<16xf32>
        %swap3A_342 = arith.index_cast %scan3A_298 : i32 to index
        %swap3A_343 = arith.constant 48 : index
        %swap3A_344 = tpu.vector_load %arg10[%swap3A_342, %swap3A_343] {strides = array<i32>} : memref<128x64xf32, #tpu.memory_space<vmem>>, vector<1x16xf32>,
        %swap3A_345 = vector.shape_cast %swap3A_344 : vector<1x16xf32> to vector<16xf32>
        %swap3A_346 = vector.shape_cast %mul3A_341 : vector<16xf32> to vector<1x16xf32>
        tpu.vector_store %arg10[%swap3A_342, %swap3A_343], %swap3A_346 {strides = array<i32>} : memref<128x64xf32, #tpu.memory_space<vmem>>, vector<1x16xf32>,
      }
      %scan3A_191 = arith.constant 128 : i32
      %add3A_192 = arith.addi %mul3A_2, %mul3A_59 : i32
      %add3A_193 = arith.constant 512 : i32
      %add3A_194 = arith.addi %add3A_192, %add3A_193 : i32
      %dma_start3A_195 = arith.constant 0 : i32
      %dma_start3A_196 = tpu.memref_slice %arg4[%add3A_194, %dma_start3A_195] : memref<819200x64xf32, #tpu.memory_space<hbm>> -> memref<128x64xf32, #tpu.memory_space<hbm>>
      %dma_start3A_197 = arith.constant 0 : i32
      %dma_start3A_198 = tpu.memref_slice %arg4[%add3A_194, %dma_start3A_197] : memref<819200x64xf32, #tpu.memory_space<hbm>> -> memref<128x64xf32, #tpu.memory_space<hbm>>
      tpu.enqueue_dma source(%arg10 : memref<128x64xf32, #tpu.memory_space<vmem>>) target(%dma_start3A_198 : memref<128x64xf32, #tpu.memory_space<hbm>>) target_semaphore(%arg23 : memref<!tpu.dma_semaphore, #tpu.memory_space<semaphore_mem>>)
      %dma_wait3A_199 = tpu.memref_slice %arg5[%add3A_97] : memref<25600xi32, #tpu.memory_space<vmem>> -> memref<128xi32, #tpu.memory_space<vmem>>
      %dma_wait3A_200 = arith.constant 0 : i32
      %dma_wait3A_201 = arith.constant 0 : i32
      %dma_wait3A_202 = tpu.memref_slice %arg3[%dma_wait3A_200, %dma_wait3A_201] : memref<1000000x64xf32, #tpu.memory_space<hbm>> -> memref<1000000x64xf32, #tpu.memory_space<hbm>>
      tpu.wait_indirect_dma semaphore(%arg19 : memref<!tpu.dma_semaphore, #tpu.memory_space<semaphore_mem>>) src(%dma_wait3A_202 : memref<1000000x64xf32, #tpu.memory_space<hbm>>) dst(%arg11 : memref<128x64xf32, #tpu.memory_space<vmem>>)
      %scan3A_203 = arith.constant 0 : i32
      %scan3A_204 = arith.constant 0 : i32
      %scan3A_205 = arith.constant 128 : i32
      %scan3A_206 = arith.addi %scan3A_204, %scan3A_205 : i32
      %scan3A_207 = arith.constant 2 : i32
      scf.for %scan3A_250 = %scan3A_204 to %scan3A_206 step %scan3A_207  : i32 {
        %get3A = arith.index_cast %scan3A_250 : i32 to index
        %get3A_251 = arith.constant 0 : index
        %get3A_252 = tpu.vector_load %arg11[%get3A, %get3A_251] {strides = array<i32>} : memref<128x64xf32, #tpu.memory_space<vmem>>, vector<1x16xf32>,
        %get3A_253 = vector.shape_cast %get3A_252 : vector<1x16xf32> to vector<16xf32>
        %mul3A_254 = arith.constant 8.000000e+00 : f32
        %mul3A_255 = vector.broadcast %mul3A_254 : f32 to vector<16xf32>
        %mul3A_256 = arith.mulf %get3A_253, %mul3A_255 : vector<16xf32>
        %swap3A = arith.index_cast %scan3A_250 : i32 to index
        %swap3A_257 = arith.constant 0 : index
        %swap3A_258 = tpu.vector_load %arg11[%swap3A, %swap3A_257] {strides = array<i32>} : memref<128x64xf32, #tpu.memory_space<vmem>>, vector<1x16xf32>,
        %swap3A_259 = vector.shape_cast %swap3A_258 : vector<1x16xf32> to vector<16xf32>
        %swap3A_260 = vector.shape_cast %mul3A_256 : vector<16xf32> to vector<1x16xf32>
        tpu.vector_store %arg11[%swap3A, %swap3A_257], %swap3A_260 {strides = array<i32>} : memref<128x64xf32, #tpu.memory_space<vmem>>, vector<1x16xf32>,
        %get3A_261 = arith.index_cast %scan3A_250 : i32 to index
        %get3A_262 = arith.constant 16 : index
        %get3A_263 = tpu.vector_load %arg11[%get3A_261, %get3A_262] {strides = array<i32>} : memref<128x64xf32, #tpu.memory_space<vmem>>, vector<1x16xf32>,
        %get3A_264 = vector.shape_cast %get3A_263 : vector<1x16xf32> to vector<16xf32>
        %mul3A_265 = arith.constant 8.000000e+00 : f32
        %mul3A_266 = vector.broadcast %mul3A_265 : f32 to vector<16xf32>
        %mul3A_267 = arith.mulf %get3A_264, %mul3A_266 : vector<16xf32>
        %swap3A_268 = arith.index_cast %scan3A_250 : i32 to index
        %swap3A_269 = arith.constant 16 : index
        %swap3A_270 = tpu.vector_load %arg11[%swap3A_268, %swap3A_269] {strides = array<i32>} : memref<128x64xf32, #tpu.memory_space<vmem>>, vector<1x16xf32>,
        %swap3A_271 = vector.shape_cast %swap3A_270 : vector<1x16xf32> to vector<16xf32>
        %swap3A_272 = vector.shape_cast %mul3A_267 : vector<16xf32> to vector<1x16xf32>
        tpu.vector_store %arg11[%swap3A_268, %swap3A_269], %swap3A_272 {strides = array<i32>} : memref<128x64xf32, #tpu.memory_space<vmem>>, vector<1x16xf32>,
        %get3A_273 = arith.index_cast %scan3A_250 : i32 to index
        %get3A_274 = arith.constant 32 : index
        %get3A_275 = tpu.vector_load %arg11[%get3A_273, %get3A_274] {strides = array<i32>} : memref<128x64xf32, #tpu.memory_space<vmem>>, vector<1x16xf32>,
        %get3A_276 = vector.shape_cast %get3A_275 : vector<1x16xf32> to vector<16xf32>
        %mul3A_277 = arith.constant 8.000000e+00 : f32
        %mul3A_278 = vector.broadcast %mul3A_277 : f32 to vector<16xf32>
        %mul3A_279 = arith.mulf %get3A_276, %mul3A_278 : vector<16xf32>
        %swap3A_280 = arith.index_cast %scan3A_250 : i32 to index
        %swap3A_281 = arith.constant 32 : index
        %swap3A_282 = tpu.vector_load %arg11[%swap3A_280, %swap3A_281] {strides = array<i32>} : memref<128x64xf32, #tpu.memory_space<vmem>>, vector<1x16xf32>,
        %swap3A_283 = vector.shape_cast %swap3A_282 : vector<1x16xf32> to vector<16xf32>
        %swap3A_284 = vector.shape_cast %mul3A_279 : vector<16xf32> to vector<1x16xf32>
        tpu.vector_store %arg11[%swap3A_280, %swap3A_281], %swap3A_284 {strides = array<i32>} : memref<128x64xf32, #tpu.memory_space<vmem>>, vector<1x16xf32>,
        %get3A_285 = arith.index_cast %scan3A_250 : i32 to index
        %get3A_286 = arith.constant 48 : index
        %get3A_287 = tpu.vector_load %arg11[%get3A_285, %get3A_286] {strides = array<i32>} : memref<128x64xf32, #tpu.memory_space<vmem>>, vector<1x16xf32>,
        %get3A_288 = vector.shape_cast %get3A_287 : vector<1x16xf32> to vector<16xf32>
        %mul3A_289 = arith.constant 8.000000e+00 : f32
        %mul3A_290 = vector.broadcast %mul3A_289 : f32 to vector<16xf32>
        %mul3A_291 = arith.mulf %get3A_288, %mul3A_290 : vector<16xf32>
        %swap3A_292 = arith.index_cast %scan3A_250 : i32 to index
        %swap3A_293 = arith.constant 48 : index
        %swap3A_294 = tpu.vector_load %arg11[%swap3A_292, %swap3A_293] {strides = array<i32>} : memref<128x64xf32, #tpu.memory_space<vmem>>, vector<1x16xf32>,
        %swap3A_295 = vector.shape_cast %swap3A_294 : vector<1x16xf32> to vector<16xf32>
        %swap3A_296 = vector.shape_cast %mul3A_291 : vector<16xf32> to vector<1x16xf32>
        tpu.vector_store %arg11[%swap3A_292, %swap3A_293], %swap3A_296 {strides = array<i32>} : memref<128x64xf32, #tpu.memory_space<vmem>>, vector<1x16xf32>,
        %scan3A_297 = arith.constant 1 : i32
        %scan3A_298 = arith.addi %scan3A_250, %scan3A_297 : i32
        %get3A_299 = arith.index_cast %scan3A_298 : i32 to index
        %get3A_300 = arith.constant 0 : index
        %get3A_301 = tpu.vector_load %arg11[%get3A_299, %get3A_300] {strides = array<i32>} : memref<128x64xf32, #tpu.memory_space<vmem>>, vector<1x16xf32>,
        %get3A_302 = vector.shape_cast %get3A_301 : vector<1x16xf32> to vector<16xf32>
        %mul3A_303 = arith.constant 8.000000e+00 : f32
        %mul3A_304 = vector.broadcast %mul3A_303 : f32 to vector<16xf32>
        %mul3A_305 = arith.mulf %get3A_302, %mul3A_304 : vector<16xf32>
        %swap3A_306 = arith.index_cast %scan3A_298 : i32 to index
        %swap3A_307 = arith.constant 0 : index
        %swap3A_308 = tpu.vector_load %arg11[%swap3A_306, %swap3A_307] {strides = array<i32>} : memref<128x64xf32, #tpu.memory_space<vmem>>, vector<1x16xf32>,
        %swap3A_309 = vector.shape_cast %swap3A_308 : vector<1x16xf32> to vector<16xf32>
        %swap3A_310 = vector.shape_cast %mul3A_305 : vector<16xf32> to vector<1x16xf32>
        tpu.vector_store %arg11[%swap3A_306, %swap3A_307], %swap3A_310 {strides = array<i32>} : memref<128x64xf32, #tpu.memory_space<vmem>>, vector<1x16xf32>,
        %get3A_311 = arith.index_cast %scan3A_298 : i32 to index
        %get3A_312 = arith.constant 16 : index
        %get3A_313 = tpu.vector_load %arg11[%get3A_311, %get3A_312] {strides = array<i32>} : memref<128x64xf32, #tpu.memory_space<vmem>>, vector<1x16xf32>,
        %get3A_314 = vector.shape_cast %get3A_313 : vector<1x16xf32> to vector<16xf32>
        %mul3A_315 = arith.constant 8.000000e+00 : f32
        %mul3A_316 = vector.broadcast %mul3A_315 : f32 to vector<16xf32>
        %mul3A_317 = arith.mulf %get3A_314, %mul3A_316 : vector<16xf32>
        %swap3A_318 = arith.index_cast %scan3A_298 : i32 to index
        %swap3A_319 = arith.constant 16 : index
        %swap3A_320 = tpu.vector_load %arg11[%swap3A_318, %swap3A_319] {strides = array<i32>} : memref<128x64xf32, #tpu.memory_space<vmem>>, vector<1x16xf32>,
        %swap3A_321 = vector.shape_cast %swap3A_320 : vector<1x16xf32> to vector<16xf32>
        %swap3A_322 = vector.shape_cast %mul3A_317 : vector<16xf32> to vector<1x16xf32>
        tpu.vector_store %arg11[%swap3A_318, %swap3A_319], %swap3A_322 {strides = array<i32>} : memref<128x64xf32, #tpu.memory_space<vmem>>, vector<1x16xf32>,
        %get3A_323 = arith.index_cast %scan3A_298 : i32 to index
        %get3A_324 = arith.constant 32 : index
        %get3A_325 = tpu.vector_load %arg11[%get3A_323, %get3A_324] {strides = array<i32>} : memref<128x64xf32, #tpu.memory_space<vmem>>, vector<1x16xf32>,
        %get3A_326 = vector.shape_cast %get3A_325 : vector<1x16xf32> to vector<16xf32>
        %mul3A_327 = arith.constant 8.000000e+00 : f32
        %mul3A_328 = vector.broadcast %mul3A_327 : f32 to vector<16xf32>
        %mul3A_329 = arith.mulf %get3A_326, %mul3A_328 : vector<16xf32>
        %swap3A_330 = arith.index_cast %scan3A_298 : i32 to index
        %swap3A_331 = arith.constant 32 : index
        %swap3A_332 = tpu.vector_load %arg11[%swap3A_330, %swap3A_331] {strides = array<i32>} : memref<128x64xf32, #tpu.memory_space<vmem>>, vector<1x16xf32>,
        %swap3A_333 = vector.shape_cast %swap3A_332 : vector<1x16xf32> to vector<16xf32>
        %swap3A_334 = vector.shape_cast %mul3A_329 : vector<16xf32> to vector<1x16xf32>
        tpu.vector_store %arg11[%swap3A_330, %swap3A_331], %swap3A_334 {strides = array<i32>} : memref<128x64xf32, #tpu.memory_space<vmem>>, vector<1x16xf32>,
        %get3A_335 = arith.index_cast %scan3A_298 : i32 to index
        %get3A_336 = arith.constant 48 : index
        %get3A_337 = tpu.vector_load %arg11[%get3A_335, %get3A_336] {strides = array<i32>} : memref<128x64xf32, #tpu.memory_space<vmem>>, vector<1x16xf32>,
        %get3A_338 = vector.shape_cast %get3A_337 : vector<1x16xf32> to vector<16xf32>
        %mul3A_339 = arith.constant 8.000000e+00 : f32
        %mul3A_340 = vector.broadcast %mul3A_339 : f32 to vector<16xf32>
        %mul3A_341 = arith.mulf %get3A_338, %mul3A_340 : vector<16xf32>
        %swap3A_342 = arith.index_cast %scan3A_298 : i32 to index
        %swap3A_343 = arith.constant 48 : index
        %swap3A_344 = tpu.vector_load %arg11[%swap3A_342, %swap3A_343] {strides = array<i32>} : memref<128x64xf32, #tpu.memory_space<vmem>>, vector<1x16xf32>,
        %swap3A_345 = vector.shape_cast %swap3A_344 : vector<1x16xf32> to vector<16xf32>
        %swap3A_346 = vector.shape_cast %mul3A_341 : vector<16xf32> to vector<1x16xf32>
        tpu.vector_store %arg11[%swap3A_342, %swap3A_343], %swap3A_346 {strides = array<i32>} : memref<128x64xf32, #tpu.memory_space<vmem>>, vector<1x16xf32>,
      }
      %scan3A_208 = arith.constant 128 : i32
      %add3A_209 = arith.addi %mul3A_2, %mul3A_59 : i32
      %add3A_210 = arith.constant 640 : i32
      %add3A_211 = arith.addi %add3A_209, %add3A_210 : i32
      %dma_start3A_212 = arith.constant 0 : i32
      %dma_start3A_213 = tpu.memref_slice %arg4[%add3A_211, %dma_start3A_212] : memref<819200x64xf32, #tpu.memory_space<hbm>> -> memref<128x64xf32, #tpu.memory_space<hbm>>
      %dma_start3A_214 = arith.constant 0 : i32
      %dma_start3A_215 = tpu.memref_slice %arg4[%add3A_211, %dma_start3A_214] : memref<819200x64xf32, #tpu.memory_space<hbm>> -> memref<128x64xf32, #tpu.memory_space<hbm>>
      tpu.enqueue_dma source(%arg11 : memref<128x64xf32, #tpu.memory_space<vmem>>) target(%dma_start3A_215 : memref<128x64xf32, #tpu.memory_space<hbm>>) target_semaphore(%arg23 : memref<!tpu.dma_semaphore, #tpu.memory_space<semaphore_mem>>)
      %dma_wait3A_216 = tpu.memref_slice %arg5[%add3A_103] : memref<25600xi32, #tpu.memory_space<vmem>> -> memref<128xi32, #tpu.memory_space<vmem>>
      %dma_wait3A_217 = arith.constant 0 : i32
      %dma_wait3A_218 = arith.constant 0 : i32
      %dma_wait3A_219 = tpu.memref_slice %arg3[%dma_wait3A_217, %dma_wait3A_218] : memref<1000000x64xf32, #tpu.memory_space<hbm>> -> memref<1000000x64xf32, #tpu.memory_space<hbm>>
      tpu.wait_indirect_dma semaphore(%arg20 : memref<!tpu.dma_semaphore, #tpu.memory_space<semaphore_mem>>) src(%dma_wait3A_219 : memref<1000000x64xf32, #tpu.memory_space<hbm>>) dst(%arg12 : memref<128x64xf32, #tpu.memory_space<vmem>>)
      %scan3A_220 = arith.constant 0 : i32
      %scan3A_221 = arith.constant 0 : i32
      %scan3A_222 = arith.constant 128 : i32
      %scan3A_223 = arith.addi %scan3A_221, %scan3A_222 : i32
      %scan3A_224 = arith.constant 2 : i32
      scf.for %scan3A_250 = %scan3A_221 to %scan3A_223 step %scan3A_224  : i32 {
        %get3A = arith.index_cast %scan3A_250 : i32 to index
        %get3A_251 = arith.constant 0 : index
        %get3A_252 = tpu.vector_load %arg12[%get3A, %get3A_251] {strides = array<i32>} : memref<128x64xf32, #tpu.memory_space<vmem>>, vector<1x16xf32>,
        %get3A_253 = vector.shape_cast %get3A_252 : vector<1x16xf32> to vector<16xf32>
        %mul3A_254 = arith.constant 8.000000e+00 : f32
        %mul3A_255 = vector.broadcast %mul3A_254 : f32 to vector<16xf32>
        %mul3A_256 = arith.mulf %get3A_253, %mul3A_255 : vector<16xf32>
        %swap3A = arith.index_cast %scan3A_250 : i32 to index
        %swap3A_257 = arith.constant 0 : index
        %swap3A_258 = tpu.vector_load %arg12[%swap3A, %swap3A_257] {strides = array<i32>} : memref<128x64xf32, #tpu.memory_space<vmem>>, vector<1x16xf32>,
        %swap3A_259 = vector.shape_cast %swap3A_258 : vector<1x16xf32> to vector<16xf32>
        %swap3A_260 = vector.shape_cast %mul3A_256 : vector<16xf32> to vector<1x16xf32>
        tpu.vector_store %arg12[%swap3A, %swap3A_257], %swap3A_260 {strides = array<i32>} : memref<128x64xf32, #tpu.memory_space<vmem>>, vector<1x16xf32>,
        %get3A_261 = arith.index_cast %scan3A_250 : i32 to index
        %get3A_262 = arith.constant 16 : index
        %get3A_263 = tpu.vector_load %arg12[%get3A_261, %get3A_262] {strides = array<i32>} : memref<128x64xf32, #tpu.memory_space<vmem>>, vector<1x16xf32>,
        %get3A_264 = vector.shape_cast %get3A_263 : vector<1x16xf32> to vector<16xf32>
        %mul3A_265 = arith.constant 8.000000e+00 : f32
        %mul3A_266 = vector.broadcast %mul3A_265 : f32 to vector<16xf32>
        %mul3A_267 = arith.mulf %get3A_264, %mul3A_266 : vector<16xf32>
        %swap3A_268 = arith.index_cast %scan3A_250 : i32 to index
        %swap3A_269 = arith.constant 16 : index
        %swap3A_270 = tpu.vector_load %arg12[%swap3A_268, %swap3A_269] {strides = array<i32>} : memref<128x64xf32, #tpu.memory_space<vmem>>, vector<1x16xf32>,
        %swap3A_271 = vector.shape_cast %swap3A_270 : vector<1x16xf32> to vector<16xf32>
        %swap3A_272 = vector.shape_cast %mul3A_267 : vector<16xf32> to vector<1x16xf32>
        tpu.vector_store %arg12[%swap3A_268, %swap3A_269], %swap3A_272 {strides = array<i32>} : memref<128x64xf32, #tpu.memory_space<vmem>>, vector<1x16xf32>,
        %get3A_273 = arith.index_cast %scan3A_250 : i32 to index
        %get3A_274 = arith.constant 32 : index
        %get3A_275 = tpu.vector_load %arg12[%get3A_273, %get3A_274] {strides = array<i32>} : memref<128x64xf32, #tpu.memory_space<vmem>>, vector<1x16xf32>,
        %get3A_276 = vector.shape_cast %get3A_275 : vector<1x16xf32> to vector<16xf32>
        %mul3A_277 = arith.constant 8.000000e+00 : f32
        %mul3A_278 = vector.broadcast %mul3A_277 : f32 to vector<16xf32>
        %mul3A_279 = arith.mulf %get3A_276, %mul3A_278 : vector<16xf32>
        %swap3A_280 = arith.index_cast %scan3A_250 : i32 to index
        %swap3A_281 = arith.constant 32 : index
        %swap3A_282 = tpu.vector_load %arg12[%swap3A_280, %swap3A_281] {strides = array<i32>} : memref<128x64xf32, #tpu.memory_space<vmem>>, vector<1x16xf32>,
        %swap3A_283 = vector.shape_cast %swap3A_282 : vector<1x16xf32> to vector<16xf32>
        %swap3A_284 = vector.shape_cast %mul3A_279 : vector<16xf32> to vector<1x16xf32>
        tpu.vector_store %arg12[%swap3A_280, %swap3A_281], %swap3A_284 {strides = array<i32>} : memref<128x64xf32, #tpu.memory_space<vmem>>, vector<1x16xf32>,
        %get3A_285 = arith.index_cast %scan3A_250 : i32 to index
        %get3A_286 = arith.constant 48 : index
        %get3A_287 = tpu.vector_load %arg12[%get3A_285, %get3A_286] {strides = array<i32>} : memref<128x64xf32, #tpu.memory_space<vmem>>, vector<1x16xf32>,
        %get3A_288 = vector.shape_cast %get3A_287 : vector<1x16xf32> to vector<16xf32>
        %mul3A_289 = arith.constant 8.000000e+00 : f32
        %mul3A_290 = vector.broadcast %mul3A_289 : f32 to vector<16xf32>
        %mul3A_291 = arith.mulf %get3A_288, %mul3A_290 : vector<16xf32>
        %swap3A_292 = arith.index_cast %scan3A_250 : i32 to index
        %swap3A_293 = arith.constant 48 : index
        %swap3A_294 = tpu.vector_load %arg12[%swap3A_292, %swap3A_293] {strides = array<i32>} : memref<128x64xf32, #tpu.memory_space<vmem>>, vector<1x16xf32>,
        %swap3A_295 = vector.shape_cast %swap3A_294 : vector<1x16xf32> to vector<16xf32>
        %swap3A_296 = vector.shape_cast %mul3A_291 : vector<16xf32> to vector<1x16xf32>
        tpu.vector_store %arg12[%swap3A_292, %swap3A_293], %swap3A_296 {strides = array<i32>} : memref<128x64xf32, #tpu.memory_space<vmem>>, vector<1x16xf32>,
        %scan3A_297 = arith.constant 1 : i32
        %scan3A_298 = arith.addi %scan3A_250, %scan3A_297 : i32
        %get3A_299 = arith.index_cast %scan3A_298 : i32 to index
        %get3A_300 = arith.constant 0 : index
        %get3A_301 = tpu.vector_load %arg12[%get3A_299, %get3A_300] {strides = array<i32>} : memref<128x64xf32, #tpu.memory_space<vmem>>, vector<1x16xf32>,
        %get3A_302 = vector.shape_cast %get3A_301 : vector<1x16xf32> to vector<16xf32>
        %mul3A_303 = arith.constant 8.000000e+00 : f32
        %mul3A_304 = vector.broadcast %mul3A_303 : f32 to vector<16xf32>
        %mul3A_305 = arith.mulf %get3A_302, %mul3A_304 : vector<16xf32>
        %swap3A_306 = arith.index_cast %scan3A_298 : i32 to index
        %swap3A_307 = arith.constant 0 : index
        %swap3A_308 = tpu.vector_load %arg12[%swap3A_306, %swap3A_307] {strides = array<i32>} : memref<128x64xf32, #tpu.memory_space<vmem>>, vector<1x16xf32>,
        %swap3A_309 = vector.shape_cast %swap3A_308 : vector<1x16xf32> to vector<16xf32>
        %swap3A_310 = vector.shape_cast %mul3A_305 : vector<16xf32> to vector<1x16xf32>
        tpu.vector_store %arg12[%swap3A_306, %swap3A_307], %swap3A_310 {strides = array<i32>} : memref<128x64xf32, #tpu.memory_space<vmem>>, vector<1x16xf32>,
        %get3A_311 = arith.index_cast %scan3A_298 : i32 to index
        %get3A_312 = arith.constant 16 : index
        %get3A_313 = tpu.vector_load %arg12[%get3A_311, %get3A_312] {strides = array<i32>} : memref<128x64xf32, #tpu.memory_space<vmem>>, vector<1x16xf32>,
        %get3A_314 = vector.shape_cast %get3A_313 : vector<1x16xf32> to vector<16xf32>
        %mul3A_315 = arith.constant 8.000000e+00 : f32
        %mul3A_316 = vector.broadcast %mul3A_315 : f32 to vector<16xf32>
        %mul3A_317 = arith.mulf %get3A_314, %mul3A_316 : vector<16xf32>
        %swap3A_318 = arith.index_cast %scan3A_298 : i32 to index
        %swap3A_319 = arith.constant 16 : index
        %swap3A_320 = tpu.vector_load %arg12[%swap3A_318, %swap3A_319] {strides = array<i32>} : memref<128x64xf32, #tpu.memory_space<vmem>>, vector<1x16xf32>,
        %swap3A_321 = vector.shape_cast %swap3A_320 : vector<1x16xf32> to vector<16xf32>
        %swap3A_322 = vector.shape_cast %mul3A_317 : vector<16xf32> to vector<1x16xf32>
        tpu.vector_store %arg12[%swap3A_318, %swap3A_319], %swap3A_322 {strides = array<i32>} : memref<128x64xf32, #tpu.memory_space<vmem>>, vector<1x16xf32>,
        %get3A_323 = arith.index_cast %scan3A_298 : i32 to index
        %get3A_324 = arith.constant 32 : index
        %get3A_325 = tpu.vector_load %arg12[%get3A_323, %get3A_324] {strides = array<i32>} : memref<128x64xf32, #tpu.memory_space<vmem>>, vector<1x16xf32>,
        %get3A_326 = vector.shape_cast %get3A_325 : vector<1x16xf32> to vector<16xf32>
        %mul3A_327 = arith.constant 8.000000e+00 : f32
        %mul3A_328 = vector.broadcast %mul3A_327 : f32 to vector<16xf32>
        %mul3A_329 = arith.mulf %get3A_326, %mul3A_328 : vector<16xf32>
        %swap3A_330 = arith.index_cast %scan3A_298 : i32 to index
        %swap3A_331 = arith.constant 32 : index
        %swap3A_332 = tpu.vector_load %arg12[%swap3A_330, %swap3A_331] {strides = array<i32>} : memref<128x64xf32, #tpu.memory_space<vmem>>, vector<1x16xf32>,
        %swap3A_333 = vector.shape_cast %swap3A_332 : vector<1x16xf32> to vector<16xf32>
        %swap3A_334 = vector.shape_cast %mul3A_329 : vector<16xf32> to vector<1x16xf32>
        tpu.vector_store %arg12[%swap3A_330, %swap3A_331], %swap3A_334 {strides = array<i32>} : memref<128x64xf32, #tpu.memory_space<vmem>>, vector<1x16xf32>,
        %get3A_335 = arith.index_cast %scan3A_298 : i32 to index
        %get3A_336 = arith.constant 48 : index
        %get3A_337 = tpu.vector_load %arg12[%get3A_335, %get3A_336] {strides = array<i32>} : memref<128x64xf32, #tpu.memory_space<vmem>>, vector<1x16xf32>,
        %get3A_338 = vector.shape_cast %get3A_337 : vector<1x16xf32> to vector<16xf32>
        %mul3A_339 = arith.constant 8.000000e+00 : f32
        %mul3A_340 = vector.broadcast %mul3A_339 : f32 to vector<16xf32>
        %mul3A_341 = arith.mulf %get3A_338, %mul3A_340 : vector<16xf32>
        %swap3A_342 = arith.index_cast %scan3A_298 : i32 to index
        %swap3A_343 = arith.constant 48 : index
        %swap3A_344 = tpu.vector_load %arg12[%swap3A_342, %swap3A_343] {strides = array<i32>} : memref<128x64xf32, #tpu.memory_space<vmem>>, vector<1x16xf32>,
        %swap3A_345 = vector.shape_cast %swap3A_344 : vector<1x16xf32> to vector<16xf32>
        %swap3A_346 = vector.shape_cast %mul3A_341 : vector<16xf32> to vector<1x16xf32>
        tpu.vector_store %arg12[%swap3A_342, %swap3A_343], %swap3A_346 {strides = array<i32>} : memref<128x64xf32, #tpu.memory_space<vmem>>, vector<1x16xf32>,
      }
      %scan3A_225 = arith.constant 128 : i32
      %add3A_226 = arith.addi %mul3A_2, %mul3A_59 : i32
      %add3A_227 = arith.constant 768 : i32
      %add3A_228 = arith.addi %add3A_226, %add3A_227 : i32
      %dma_start3A_229 = arith.constant 0 : i32
      %dma_start3A_230 = tpu.memref_slice %arg4[%add3A_228, %dma_start3A_229] : memref<819200x64xf32, #tpu.memory_space<hbm>> -> memref<128x64xf32, #tpu.memory_space<hbm>>
      %dma_start3A_231 = arith.constant 0 : i32
      %dma_start3A_232 = tpu.memref_slice %arg4[%add3A_228, %dma_start3A_231] : memref<819200x64xf32, #tpu.memory_space<hbm>> -> memref<128x64xf32, #tpu.memory_space<hbm>>
      tpu.enqueue_dma source(%arg12 : memref<128x64xf32, #tpu.memory_space<vmem>>) target(%dma_start3A_232 : memref<128x64xf32, #tpu.memory_space<hbm>>) target_semaphore(%arg23 : memref<!tpu.dma_semaphore, #tpu.memory_space<semaphore_mem>>)
      %dma_wait3A_233 = tpu.memref_slice %arg5[%add3A_109] : memref<25600xi32, #tpu.memory_space<vmem>> -> memref<128xi32, #tpu.memory_space<vmem>>
      %dma_wait3A_234 = arith.constant 0 : i32
      %dma_wait3A_235 = arith.constant 0 : i32
      %dma_wait3A_236 = tpu.memref_slice %arg3[%dma_wait3A_234, %dma_wait3A_235] : memref<1000000x64xf32, #tpu.memory_space<hbm>> -> memref<1000000x64xf32, #tpu.memory_space<hbm>>
      tpu.wait_indirect_dma semaphore(%arg21 : memref<!tpu.dma_semaphore, #tpu.memory_space<semaphore_mem>>) src(%dma_wait3A_236 : memref<1000000x64xf32, #tpu.memory_space<hbm>>) dst(%arg13 : memref<128x64xf32, #tpu.memory_space<vmem>>)
      %scan3A_237 = arith.constant 0 : i32
      %scan3A_238 = arith.constant 0 : i32
      %scan3A_239 = arith.constant 128 : i32
      %scan3A_240 = arith.addi %scan3A_238, %scan3A_239 : i32
      %scan3A_241 = arith.constant 2 : i32
      scf.for %scan3A_250 = %scan3A_238 to %scan3A_240 step %scan3A_241  : i32 {
        %get3A = arith.index_cast %scan3A_250 : i32 to index
        %get3A_251 = arith.constant 0 : index
        %get3A_252 = tpu.vector_load %arg13[%get3A, %get3A_251] {strides = array<i32>} : memref<128x64xf32, #tpu.memory_space<vmem>>, vector<1x16xf32>,
        %get3A_253 = vector.shape_cast %get3A_252 : vector<1x16xf32> to vector<16xf32>
        %mul3A_254 = arith.constant 8.000000e+00 : f32
        %mul3A_255 = vector.broadcast %mul3A_254 : f32 to vector<16xf32>
        %mul3A_256 = arith.mulf %get3A_253, %mul3A_255 : vector<16xf32>
        %swap3A = arith.index_cast %scan3A_250 : i32 to index
        %swap3A_257 = arith.constant 0 : index
        %swap3A_258 = tpu.vector_load %arg13[%swap3A, %swap3A_257] {strides = array<i32>} : memref<128x64xf32, #tpu.memory_space<vmem>>, vector<1x16xf32>,
        %swap3A_259 = vector.shape_cast %swap3A_258 : vector<1x16xf32> to vector<16xf32>
        %swap3A_260 = vector.shape_cast %mul3A_256 : vector<16xf32> to vector<1x16xf32>
        tpu.vector_store %arg13[%swap3A, %swap3A_257], %swap3A_260 {strides = array<i32>} : memref<128x64xf32, #tpu.memory_space<vmem>>, vector<1x16xf32>,
        %get3A_261 = arith.index_cast %scan3A_250 : i32 to index
        %get3A_262 = arith.constant 16 : index
        %get3A_263 = tpu.vector_load %arg13[%get3A_261, %get3A_262] {strides = array<i32>} : memref<128x64xf32, #tpu.memory_space<vmem>>, vector<1x16xf32>,
        %get3A_264 = vector.shape_cast %get3A_263 : vector<1x16xf32> to vector<16xf32>
        %mul3A_265 = arith.constant 8.000000e+00 : f32
        %mul3A_266 = vector.broadcast %mul3A_265 : f32 to vector<16xf32>
        %mul3A_267 = arith.mulf %get3A_264, %mul3A_266 : vector<16xf32>
        %swap3A_268 = arith.index_cast %scan3A_250 : i32 to index
        %swap3A_269 = arith.constant 16 : index
        %swap3A_270 = tpu.vector_load %arg13[%swap3A_268, %swap3A_269] {strides = array<i32>} : memref<128x64xf32, #tpu.memory_space<vmem>>, vector<1x16xf32>,
        %swap3A_271 = vector.shape_cast %swap3A_270 : vector<1x16xf32> to vector<16xf32>
        %swap3A_272 = vector.shape_cast %mul3A_267 : vector<16xf32> to vector<1x16xf32>
        tpu.vector_store %arg13[%swap3A_268, %swap3A_269], %swap3A_272 {strides = array<i32>} : memref<128x64xf32, #tpu.memory_space<vmem>>, vector<1x16xf32>,
        %get3A_273 = arith.index_cast %scan3A_250 : i32 to index
        %get3A_274 = arith.constant 32 : index
        %get3A_275 = tpu.vector_load %arg13[%get3A_273, %get3A_274] {strides = array<i32>} : memref<128x64xf32, #tpu.memory_space<vmem>>, vector<1x16xf32>,
        %get3A_276 = vector.shape_cast %get3A_275 : vector<1x16xf32> to vector<16xf32>
        %mul3A_277 = arith.constant 8.000000e+00 : f32
        %mul3A_278 = vector.broadcast %mul3A_277 : f32 to vector<16xf32>
        %mul3A_279 = arith.mulf %get3A_276, %mul3A_278 : vector<16xf32>
        %swap3A_280 = arith.index_cast %scan3A_250 : i32 to index
        %swap3A_281 = arith.constant 32 : index
        %swap3A_282 = tpu.vector_load %arg13[%swap3A_280, %swap3A_281] {strides = array<i32>} : memref<128x64xf32, #tpu.memory_space<vmem>>, vector<1x16xf32>,
        %swap3A_283 = vector.shape_cast %swap3A_282 : vector<1x16xf32> to vector<16xf32>
        %swap3A_284 = vector.shape_cast %mul3A_279 : vector<16xf32> to vector<1x16xf32>
        tpu.vector_store %arg13[%swap3A_280, %swap3A_281], %swap3A_284 {strides = array<i32>} : memref<128x64xf32, #tpu.memory_space<vmem>>, vector<1x16xf32>,
        %get3A_285 = arith.index_cast %scan3A_250 : i32 to index
        %get3A_286 = arith.constant 48 : index
        %get3A_287 = tpu.vector_load %arg13[%get3A_285, %get3A_286] {strides = array<i32>} : memref<128x64xf32, #tpu.memory_space<vmem>>, vector<1x16xf32>,
        %get3A_288 = vector.shape_cast %get3A_287 : vector<1x16xf32> to vector<16xf32>
        %mul3A_289 = arith.constant 8.000000e+00 : f32
        %mul3A_290 = vector.broadcast %mul3A_289 : f32 to vector<16xf32>
        %mul3A_291 = arith.mulf %get3A_288, %mul3A_290 : vector<16xf32>
        %swap3A_292 = arith.index_cast %scan3A_250 : i32 to index
        %swap3A_293 = arith.constant 48 : index
        %swap3A_294 = tpu.vector_load %arg13[%swap3A_292, %swap3A_293] {strides = array<i32>} : memref<128x64xf32, #tpu.memory_space<vmem>>, vector<1x16xf32>,
        %swap3A_295 = vector.shape_cast %swap3A_294 : vector<1x16xf32> to vector<16xf32>
        %swap3A_296 = vector.shape_cast %mul3A_291 : vector<16xf32> to vector<1x16xf32>
        tpu.vector_store %arg13[%swap3A_292, %swap3A_293], %swap3A_296 {strides = array<i32>} : memref<128x64xf32, #tpu.memory_space<vmem>>, vector<1x16xf32>,
        %scan3A_297 = arith.constant 1 : i32
        %scan3A_298 = arith.addi %scan3A_250, %scan3A_297 : i32
        %get3A_299 = arith.index_cast %scan3A_298 : i32 to index
        %get3A_300 = arith.constant 0 : index
        %get3A_301 = tpu.vector_load %arg13[%get3A_299, %get3A_300] {strides = array<i32>} : memref<128x64xf32, #tpu.memory_space<vmem>>, vector<1x16xf32>,
        %get3A_302 = vector.shape_cast %get3A_301 : vector<1x16xf32> to vector<16xf32>
        %mul3A_303 = arith.constant 8.000000e+00 : f32
        %mul3A_304 = vector.broadcast %mul3A_303 : f32 to vector<16xf32>
        %mul3A_305 = arith.mulf %get3A_302, %mul3A_304 : vector<16xf32>
        %swap3A_306 = arith.index_cast %scan3A_298 : i32 to index
        %swap3A_307 = arith.constant 0 : index
        %swap3A_308 = tpu.vector_load %arg13[%swap3A_306, %swap3A_307] {strides = array<i32>} : memref<128x64xf32, #tpu.memory_space<vmem>>, vector<1x16xf32>,
        %swap3A_309 = vector.shape_cast %swap3A_308 : vector<1x16xf32> to vector<16xf32>
        %swap3A_310 = vector.shape_cast %mul3A_305 : vector<16xf32> to vector<1x16xf32>
        tpu.vector_store %arg13[%swap3A_306, %swap3A_307], %swap3A_310 {strides = array<i32>} : memref<128x64xf32, #tpu.memory_space<vmem>>, vector<1x16xf32>,
        %get3A_311 = arith.index_cast %scan3A_298 : i32 to index
        %get3A_312 = arith.constant 16 : index
        %get3A_313 = tpu.vector_load %arg13[%get3A_311, %get3A_312] {strides = array<i32>} : memref<128x64xf32, #tpu.memory_space<vmem>>, vector<1x16xf32>,
        %get3A_314 = vector.shape_cast %get3A_313 : vector<1x16xf32> to vector<16xf32>
        %mul3A_315 = arith.constant 8.000000e+00 : f32
        %mul3A_316 = vector.broadcast %mul3A_315 : f32 to vector<16xf32>
        %mul3A_317 = arith.mulf %get3A_314, %mul3A_316 : vector<16xf32>
        %swap3A_318 = arith.index_cast %scan3A_298 : i32 to index
        %swap3A_319 = arith.constant 16 : index
        %swap3A_320 = tpu.vector_load %arg13[%swap3A_318, %swap3A_319] {strides = array<i32>} : memref<128x64xf32, #tpu.memory_space<vmem>>, vector<1x16xf32>,
        %swap3A_321 = vector.shape_cast %swap3A_320 : vector<1x16xf32> to vector<16xf32>
        %swap3A_322 = vector.shape_cast %mul3A_317 : vector<16xf32> to vector<1x16xf32>
        tpu.vector_store %arg13[%swap3A_318, %swap3A_319], %swap3A_322 {strides = array<i32>} : memref<128x64xf32, #tpu.memory_space<vmem>>, vector<1x16xf32>,
        %get3A_323 = arith.index_cast %scan3A_298 : i32 to index
        %get3A_324 = arith.constant 32 : index
        %get3A_325 = tpu.vector_load %arg13[%get3A_323, %get3A_324] {strides = array<i32>} : memref<128x64xf32, #tpu.memory_space<vmem>>, vector<1x16xf32>,
        %get3A_326 = vector.shape_cast %get3A_325 : vector<1x16xf32> to vector<16xf32>
        %mul3A_327 = arith.constant 8.000000e+00 : f32
        %mul3A_328 = vector.broadcast %mul3A_327 : f32 to vector<16xf32>
        %mul3A_329 = arith.mulf %get3A_326, %mul3A_328 : vector<16xf32>
        %swap3A_330 = arith.index_cast %scan3A_298 : i32 to index
        %swap3A_331 = arith.constant 32 : index
        %swap3A_332 = tpu.vector_load %arg13[%swap3A_330, %swap3A_331] {strides = array<i32>} : memref<128x64xf32, #tpu.memory_space<vmem>>, vector<1x16xf32>,
        %swap3A_333 = vector.shape_cast %swap3A_332 : vector<1x16xf32> to vector<16xf32>
        %swap3A_334 = vector.shape_cast %mul3A_329 : vector<16xf32> to vector<1x16xf32>
        tpu.vector_store %arg13[%swap3A_330, %swap3A_331], %swap3A_334 {strides = array<i32>} : memref<128x64xf32, #tpu.memory_space<vmem>>, vector<1x16xf32>,
        %get3A_335 = arith.index_cast %scan3A_298 : i32 to index
        %get3A_336 = arith.constant 48 : index
        %get3A_337 = tpu.vector_load %arg13[%get3A_335, %get3A_336] {strides = array<i32>} : memref<128x64xf32, #tpu.memory_space<vmem>>, vector<1x16xf32>,
        %get3A_338 = vector.shape_cast %get3A_337 : vector<1x16xf32> to vector<16xf32>
        %mul3A_339 = arith.constant 8.000000e+00 : f32
        %mul3A_340 = vector.broadcast %mul3A_339 : f32 to vector<16xf32>
        %mul3A_341 = arith.mulf %get3A_338, %mul3A_340 : vector<16xf32>
        %swap3A_342 = arith.index_cast %scan3A_298 : i32 to index
        %swap3A_343 = arith.constant 48 : index
        %swap3A_344 = tpu.vector_load %arg13[%swap3A_342, %swap3A_343] {strides = array<i32>} : memref<128x64xf32, #tpu.memory_space<vmem>>, vector<1x16xf32>,
        %swap3A_345 = vector.shape_cast %swap3A_344 : vector<1x16xf32> to vector<16xf32>
        %swap3A_346 = vector.shape_cast %mul3A_341 : vector<16xf32> to vector<1x16xf32>
        tpu.vector_store %arg13[%swap3A_342, %swap3A_343], %swap3A_346 {strides = array<i32>} : memref<128x64xf32, #tpu.memory_space<vmem>>, vector<1x16xf32>,
      }
      %scan3A_242 = arith.constant 128 : i32
      %add3A_243 = arith.addi %mul3A_2, %mul3A_59 : i32
      %add3A_244 = arith.constant 896 : i32
      %add3A_245 = arith.addi %add3A_243, %add3A_244 : i32
      %dma_start3A_246 = arith.constant 0 : i32
      %dma_start3A_247 = tpu.memref_slice %arg4[%add3A_245, %dma_start3A_246] : memref<819200x64xf32, #tpu.memory_space<hbm>> -> memref<128x64xf32, #tpu.memory_space<hbm>>
      %dma_start3A_248 = arith.constant 0 : i32
      %dma_start3A_249 = tpu.memref_slice %arg4[%add3A_245, %dma_start3A_248] : memref<819200x64xf32, #tpu.memory_space<hbm>> -> memref<128x64xf32, #tpu.memory_space<hbm>>
      tpu.enqueue_dma source(%arg13 : memref<128x64xf32, #tpu.memory_space<vmem>>) target(%dma_start3A_249 : memref<128x64xf32, #tpu.memory_space<hbm>>) target_semaphore(%arg23 : memref<!tpu.dma_semaphore, #tpu.memory_space<semaphore_mem>>)
    }
    %scan3A_7 = arith.constant 25 : i32
    %dma_wait3A = arith.constant 0 : i32
    %dma_wait3A_8 = arith.constant 0 : i32
    %dma_wait3A_9 = tpu.memref_slice %arg4[%dma_wait3A, %dma_wait3A_8] : memref<819200x64xf32, #tpu.memory_space<hbm>> -> memref<128x64xf32, #tpu.memory_space<hbm>>
    %dma_wait3A_10 = arith.constant 0 : i32
    %dma_wait3A_11 = arith.constant 0 : i32
    %dma_wait3A_12 = tpu.memref_slice %arg4[%dma_wait3A_10, %dma_wait3A_11] : memref<819200x64xf32, #tpu.memory_space<hbm>> -> memref<128x64xf32, #tpu.memory_space<hbm>>
    tpu.wait_dma2 semaphore(%arg22 : memref<!tpu.dma_semaphore, #tpu.memory_space<semaphore_mem>>) src(%arg6 : memref<128x64xf32, #tpu.memory_space<vmem>>) dst(%dma_wait3A_12 : memref<128x64xf32, #tpu.memory_space<hbm>>)
    %dma_wait3A_13 = arith.constant 0 : i32
    %dma_wait3A_14 = arith.constant 0 : i32
    %dma_wait3A_15 = tpu.memref_slice %arg4[%dma_wait3A_13, %dma_wait3A_14] : memref<819200x64xf32, #tpu.memory_space<hbm>> -> memref<128x64xf32, #tpu.memory_space<hbm>>
    %dma_wait3A_16 = arith.constant 0 : i32
    %dma_wait3A_17 = arith.constant 0 : i32
    %dma_wait3A_18 = tpu.memref_slice %arg4[%dma_wait3A_16, %dma_wait3A_17] : memref<819200x64xf32, #tpu.memory_space<hbm>> -> memref<128x64xf32, #tpu.memory_space<hbm>>
    tpu.wait_dma2 semaphore(%arg22 : memref<!tpu.dma_semaphore, #tpu.memory_space<semaphore_mem>>) src(%arg7 : memref<128x64xf32, #tpu.memory_space<vmem>>) dst(%dma_wait3A_18 : memref<128x64xf32, #tpu.memory_space<hbm>>)
    %dma_wait3A_19 = arith.constant 0 : i32
    %dma_wait3A_20 = arith.constant 0 : i32
    %dma_wait3A_21 = tpu.memref_slice %arg4[%dma_wait3A_19, %dma_wait3A_20] : memref<819200x64xf32, #tpu.memory_space<hbm>> -> memref<128x64xf32, #tpu.memory_space<hbm>>
    %dma_wait3A_22 = arith.constant 0 : i32
    %dma_wait3A_23 = arith.constant 0 : i32
    %dma_wait3A_24 = tpu.memref_slice %arg4[%dma_wait3A_22, %dma_wait3A_23] : memref<819200x64xf32, #tpu.memory_space<hbm>> -> memref<128x64xf32, #tpu.memory_space<hbm>>
    tpu.wait_dma2 semaphore(%arg22 : memref<!tpu.dma_semaphore, #tpu.memory_space<semaphore_mem>>) src(%arg8 : memref<128x64xf32, #tpu.memory_space<vmem>>) dst(%dma_wait3A_24 : memref<128x64xf32, #tpu.memory_space<hbm>>)
    %dma_wait3A_25 = arith.constant 0 : i32
    %dma_wait3A_26 = arith.constant 0 : i32
    %dma_wait3A_27 = tpu.memref_slice %arg4[%dma_wait3A_25, %dma_wait3A_26] : memref<819200x64xf32, #tpu.memory_space<hbm>> -> memref<128x64xf32, #tpu.memory_space<hbm>>
    %dma_wait3A_28 = arith.constant 0 : i32
    %dma_wait3A_29 = arith.constant 0 : i32
    %dma_wait3A_30 = tpu.memref_slice %arg4[%dma_wait3A_28, %dma_wait3A_29] : memref<819200x64xf32, #tpu.memory_space<hbm>> -> memref<128x64xf32, #tpu.memory_space<hbm>>
    tpu.wait_dma2 semaphore(%arg22 : memref<!tpu.dma_semaphore, #tpu.memory_space<semaphore_mem>>) src(%arg9 : memref<128x64xf32, #tpu.memory_space<vmem>>) dst(%dma_wait3A_30 : memref<128x64xf32, #tpu.memory_space<hbm>>)
    %dma_wait3A_31 = arith.constant 0 : i32
    %dma_wait3A_32 = arith.constant 0 : i32
    %dma_wait3A_33 = tpu.memref_slice %arg4[%dma_wait3A_31, %dma_wait3A_32] : memref<819200x64xf32, #tpu.memory_space<hbm>> -> memref<128x64xf32, #tpu.memory_space<hbm>>
    %dma_wait3A_34 = arith.constant 0 : i32
    %dma_wait3A_35 = arith.constant 0 : i32
    %dma_wait3A_36 = tpu.memref_slice %arg4[%dma_wait3A_34, %dma_wait3A_35] : memref<819200x64xf32, #tpu.memory_space<hbm>> -> memref<128x64xf32, #tpu.memory_space<hbm>>
    tpu.wait_dma2 semaphore(%arg23 : memref<!tpu.dma_semaphore, #tpu.memory_space<semaphore_mem>>) src(%arg10 : memref<128x64xf32, #tpu.memory_space<vmem>>) dst(%dma_wait3A_36 : memref<128x64xf32, #tpu.memory_space<hbm>>)
    %dma_wait3A_37 = arith.constant 0 : i32
    %dma_wait3A_38 = arith.constant 0 : i32
    %dma_wait3A_39 = tpu.memref_slice %arg4[%dma_wait3A_37, %dma_wait3A_38] : memref<819200x64xf32, #tpu.memory_space<hbm>> -> memref<128x64xf32, #tpu.memory_space<hbm>>
    %dma_wait3A_40 = arith.constant 0 : i32
    %dma_wait3A_41 = arith.constant 0 : i32
    %dma_wait3A_42 = tpu.memref_slice %arg4[%dma_wait3A_40, %dma_wait3A_41] : memref<819200x64xf32, #tpu.memory_space<hbm>> -> memref<128x64xf32, #tpu.memory_space<hbm>>
    tpu.wait_dma2 semaphore(%arg23 : memref<!tpu.dma_semaphore, #tpu.memory_space<semaphore_mem>>) src(%arg11 : memref<128x64xf32, #tpu.memory_space<vmem>>) dst(%dma_wait3A_42 : memref<128x64xf32, #tpu.memory_space<hbm>>)
    %dma_wait3A_43 = arith.constant 0 : i32
    %dma_wait3A_44 = arith.constant 0 : i32
    %dma_wait3A_45 = tpu.memref_slice %arg4[%dma_wait3A_43, %dma_wait3A_44] : memref<819200x64xf32, #tpu.memory_space<hbm>> -> memref<128x64xf32, #tpu.memory_space<hbm>>
    %dma_wait3A_46 = arith.constant 0 : i32
    %dma_wait3A_47 = arith.constant 0 : i32
    %dma_wait3A_48 = tpu.memref_slice %arg4[%dma_wait3A_46, %dma_wait3A_47] : memref<819200x64xf32, #tpu.memory_space<hbm>> -> memref<128x64xf32, #tpu.memory_space<hbm>>
    tpu.wait_dma2 semaphore(%arg23 : memref<!tpu.dma_semaphore, #tpu.memory_space<semaphore_mem>>) src(%arg12 : memref<128x64xf32, #tpu.memory_space<vmem>>) dst(%dma_wait3A_48 : memref<128x64xf32, #tpu.memory_space<hbm>>)
    %dma_wait3A_49 = arith.constant 0 : i32
    %dma_wait3A_50 = arith.constant 0 : i32
    %dma_wait3A_51 = tpu.memref_slice %arg4[%dma_wait3A_49, %dma_wait3A_50] : memref<819200x64xf32, #tpu.memory_space<hbm>> -> memref<128x64xf32, #tpu.memory_space<hbm>>
    %dma_wait3A_52 = arith.constant 0 : i32
    %dma_wait3A_53 = arith.constant 0 : i32
    %dma_wait3A_54 = tpu.memref_slice %arg4[%dma_wait3A_52, %dma_wait3A_53] : memref<819200x64xf32, #tpu.memory_space<hbm>> -> memref<128x64xf32, #tpu.memory_space<hbm>>
    tpu.wait_dma2 semaphore(%arg23 : memref<!tpu.dma_semaphore, #tpu.memory_space<semaphore_mem>>) src(%arg13 : memref<128x64xf32, #tpu.memory_space<vmem>>) dst(%dma_wait3A_54 : memref<128x64xf32, #tpu.memory_space<hbm>>)
    return
  }
}

</mosaic_0001>

<sc_bundles>
// kernel: kernel.3.cloned.1.call-start
scs
__scs_entry_jumppad:
0x0: {  	(pc) =	sbr.rel $0x88, $3  }
0x1: {  	(tag) =	ssettag $0x0;
	lr =	simm.s32 $0x1  }
0x2: {  	[smem:$0x3F9F] =	sst lr;
	_ =	strace $0xD0000000  }
0x3: {  	_ = 	snop  }
0x4: {  	_ = 	snop  }
0x5: {  	_ = 	snop  }
0x6: {  	_ = 	snop  }
0x7: {  	_ = 	snop  }
__scs_overlays_trampoline_lowered:
0x8: {  	[smem:$0x3FAE] =	sst s0  }
0x9: {  	[smem:$0x3FAF] =	sst s1  }
0xa: {  	[smem:$0x3FB0] =	sst s2  }
0xb: {  	[smem:$0x3FB1] =	sst s3  }
0xc: {  	[smem:$0x3FB2] =	sst s4  }
0xd: {  	[smem:$0x3FB3] =	sst s5  }
0xe: {  	[smem:$0x3FB4] =	sst s6  }
0xf: {  	[smem:$0x3FB5] =	sst s7  }
0x10: {  	[smem:$0x3FB6] =	sst s8  }
0x11: {  	[smem:$0x3FB7] =	sst s9;
	s0 =	simm.s32 @!p0 $0x0  }
0x12: {  	s1 =	sld [smem:$0x3F9D];
	s0 =	simm.s32 @p0 $0x1  }
0x13: {  	[smem:$0x3FB8] =	sst s0;
	s0 =	simm.s32 @!p1 $0x0  }
0x14: {  	s2 =	sld [smem:$0x3F9C];
	s0 =	simm.s32 @p1 $0x1  }
0x15: {  	[smem:$0x3FB9] =	sst s0;
	s0 =	simm.s32 @!p2 $0x0  }
0x16: {  	s3 =	sld [smem:$0x3FDB];
	s0 =	simm.s32 @p2 $0x1  }
0x17: {  	s4 =	simm.s32 $0x1BF5;
	[smem:$0x3FBB] =	sst s0  }
0x18: {  	s0 =	sld [smem:$0x3F9E];
	_ =	swait.ge [sflag:s4], $0x0  }
0x19: {  	s7 =	sld [smem:$0x3F9F]  }
0x1a: {  	s8 =	sadd.s32 $0xFFFFE003, lr  }
0x1b: {  	s9 =	sadd.s32 $0xFFFFFEF7, lr;
	s5 =	simm.s32 $0xFFFFFFFF;
	p2 =	slt.u32 s8, $0xFFFFF086  }
0x1c: {  	p1 =	slt.u32 s9, $0xF7A;
	s5 =	simm.s32 @!p2 $0x0  }
0x1d: {  	s5 =	simm.s32 @p1 $0x1;
	p0 =	seq.s32 s7, s2  }
0x1e: {  	s7 =	smul.u32 @!p0 $0xF7A, s2;
	p2 =	seq.s32 @!p0 s5, $0x0  }
0x1f: {  	s9 =	smul.u32 $0xF7A, s1;
	s8 =	simm.s32 @!p0 $0x1BF5;
	p2 =	por !p2, p0  }
0x20: {  	[sflag:s8] =	ssyncset.s32 @!p0 $0xFFFFF086;
	s6 =	sadd.s32 @!p0 s3, s7;
	s7 =	simm.s32 @!p0 $0x108  }
0x21: {  	s3 =	sadd.s32 s3, s9;
	s6 =	sadd.s32 @!p0 $0x88, s6;
	s7 =	simm.s32 @p2 $0x1082  }
0x22: {  	[simem:s7], [sflag:s8] =	dma.local @!p0 [hbm:s6], $0xF7A  }
0x23: {  	s9 =	sor.u32 $0xD0000000, s2;
	s6 =	simm.s32 $0x108;
	_ =	swait.ge @!p0 [sflag:s8], $0x0  }
0x24: {  	s3 =	sadd.s32 $0x88, s3;
	s6 =	simm.s32 @!p1 $0x1082;
	[sflag:s4] =	ssyncset.s32 $0xFFFFF086  }
0x25: {  	[simem:s6], [sflag:s4] =	dma.local [hbm:s3], $0xF7A  }
0x26: {  	[smem:$0x3F9F] =	sst s1;
	(tag) =	ssettag s2;
	_ =	strace s9  }
0x27: {  	s1 =	sld [smem:$0x3FAF]  }
0x28: {  	s2 =	sld [smem:$0x3FB0]  }
0x29: {  	s4 =	sld [smem:$0x3FB2]  }
0x2a: {  	p0 =	seq.s32 s5, $0x0;
	s5 =	sld [smem:$0x3FB3]  }
0x2b: {  	s6 =	sld [smem:$0x3FB4]  }
0x2c: {  	s7 =	sld [smem:$0x3FB5]  }
0x2d: {  	s3 =	simm.s32 $0x108;
	s8 =	sld [smem:$0x3FB6]  }
0x2e: {  	s3 =	simm.s32 @!p0 $0x1082;
	s9 =	sld [smem:$0x3FB7]  }
0x2f: {  	lr =	sadd.s32 s0, s3;
	s0 =	sld [smem:$0x3FAE]  }
0x30: {  	s3 =	sld [smem:$0x3FB1]  }
0x31: {  	[smem:$0x3FBA] =	sst s10  }
0x32: {  	s10 =	sld [smem:$0x3FB8];
	_ =	sdelay $0x3  }
0x33: {  	p0 =	seq.s32 s10, $0x1;
	s10 =	sld [smem:$0x3FBA];
	_ =	sdelay $0x3  }
0x34: {  	[smem:$0x3FBA] =	sst s10  }
0x35: {  	s10 =	sld [smem:$0x3FB9];
	_ =	sdelay $0x3  }
0x36: {  	p1 =	seq.s32 s10, $0x1;
	s10 =	sld [smem:$0x3FBA];
	_ =	sdelay $0x3  }
0x37: {  	[smem:$0x3FBA] =	sst s10  }
0x38: {  	s10 =	sld [smem:$0x3FBB]  }
0x39: {  	_ = 	snop;
	(pc) =	sbr.ind lr, $3  }
0x3a: {  	_ = 	snop  }
0x3b: {  	_ = 	snop  }
0x3c: {  	p2 =	seq.s32 s10, $0x1;
	s10 =	sld [smem:$0x3FBA]  }
0x3d: {  	_ =	shalt  }
0x3e: {  	_ =	shalt  }
0x3f: {  	_ =	shalt  }
0x40: {  	_ =	shalt  }
0x41: {  	_ =	shalt  }
0x42: {  	_ =	shalt  }
0x43: {  	_ =	shalt  }
0x44: {  	_ =	shalt  }
0x45: {  	_ =	shalt  }
0x46: {  	_ =	shalt  }
0x47: {  	_ =	shalt  }
0x48: {  	_ =	shalt  }
0x49: {  	_ =	shalt  }
0x4a: {  	_ =	shalt  }
0x4b: {  	_ =	shalt  }
0x4c: {  	_ =	shalt  }
0x4d: {  	_ =	shalt  }
0x4e: {  	_ =	shalt  }
0x4f: {  	_ =	shalt  }
0x50: {  	_ =	shalt  }
0x51: {  	_ =	shalt  }
0x52: {  	_ =	shalt  }
0x53: {  	_ =	shalt  }
0x54: {  	_ =	shalt  }
0x55: {  	_ =	shalt  }
0x56: {  	_ =	shalt  }
0x57: {  	_ =	shalt  }
0x58: {  	_ =	shalt  }
0x59: {  	_ =	shalt  }
0x5a: {  	_ =	shalt  }
0x5b: {  	_ =	shalt  }
0x5c: {  	_ =	shalt  }
0x5d: {  	_ =	shalt  }
0x5e: {  	_ =	shalt  }
0x5f: {  	_ =	shalt  }
0x60: {  	_ =	shalt  }
0x61: {  	_ =	shalt  }
0x62: {  	_ =	shalt  }
0x63: {  	_ =	shalt  }
0x64: {  	_ =	shalt  }
0x65: {  	_ =	shalt  }
0x66: {  	_ =	shalt  }
0x67: {  	_ =	shalt  }
0x68: {  	_ =	shalt  }
0x69: {  	_ =	shalt  }
0x6a: {  	_ =	shalt  }
0x6b: {  	_ =	shalt  }
0x6c: {  	_ =	shalt  }
0x6d: {  	_ =	shalt  }
0x6e: {  	_ =	shalt  }
0x6f: {  	_ =	shalt  }
0x70: {  	_ =	shalt  }
0x71: {  	_ =	shalt  }
0x72: {  	_ =	shalt  }
0x73: {  	_ =	shalt  }
0x74: {  	_ =	shalt  }
0x75: {  	_ =	shalt  }
0x76: {  	_ =	shalt  }
0x77: {  	_ =	shalt  }
0x78: {  	_ =	shalt  }
0x79: {  	_ =	shalt  }
0x7a: {  	_ =	shalt  }
0x7b: {  	_ =	shalt  }
0x7c: {  	_ =	shalt  }
0x7d: {  	_ =	shalt  }
0x7e: {  	_ =	shalt  }
0x7f: {  	_ =	shalt  }
0x80: {  	_ =	shalt  }
0x81: {  	_ =	shalt  }
0x82: {  	_ =	shalt  }
0x83: {  	_ =	shalt  }
0x84: {  	_ =	shalt  }
0x85: {  	_ =	shalt  }
0x86: {  	_ =	shalt  }
0x87: {  	_ =	shalt  }
.Lfunc_end0:
.L_simem_size_0:
called_computation.1_lowered:
.L_overlay_start_0:
0x88: {  	s2 =	sld [smem:$0x3FD9]  }
0x89: {  	s3 =	sld [smem:$0x3FFE];
	_ =	sdelay $0x1  }
0x8a: {  	s1 =	srdreg.scid  }
0x8b: {  	s0 =	sand.u32 $0x1, s1  }
0x8c: {  	s17 =	sshll.u32 s0, $0xA;
	s2 =	sadd.s32 s3, s2  }
0x8d: {  	s2 =	sadd.s32 s2, s17  }
0x8e: {  	[smem:$0x3FC6] =	sst s2  }
0x8f: {  	_ = 	snop  }
0x90: {  	s2 =	sld [smem:$0x3FD0];
	(tm) =	ssettm $0x1  }
0x91: {  	s18 =	sld [smem:$0x3FFB];
	_ =	sdelay $0x3  }
0x92: {  	_ =	strace s18  }
0x93: {  	s3 =	sld [smem:$0x3FFC];
	_ =	sdelay $0x3  }
0x94: {  	_ =	strace s3  }
0x95: {  	s3 =	sld [smem:$0x3FFD];
	_ =	sdelay $0x3  }
0x96: {  	_ =	strace s3  }
0x97: {  	_ =	strace $0x8FFFFFFF  }
0x98: {  	s19 =	sld [smem:$0x3FDB];
	_ =	sdelay $0x1  }
0x99: {  	s4 =	simm.s32 $_scs_section_size  }
0x9a: {  	s5 =	simm.s32 $_size__tile_overlayer_lowered;
	s6 =	simm.s32 $_tile_overlayer_lowered  }
0x9b: {  	s22 =	simm.s32 $0x1BFF;
	s21 =	sshll.u32 s6, $0x1;
	s3 =	sadd.s32 s4, s19  }
0x9c: {  	s7 =	simm.s32 $0x0;
	s20 =	sshll.u32 s5, $0x1;
	s5 =	sadd.s32 s21, s3  }
0x9d: {  	[timem:s7], [sflag:s22] =	dma.local [hbm:s5], s20  }
0x9e: {  	_ =	swait.ge [sflag:s22], s20  }
0x9f: {  	s4 =	ssub.s32 $0x0, s20;
	[sflag:s22] =	ssyncset.done $0x0  }
0xa0: {  	[sflag:s22] =	ssyncadd.s32 s4;
	_ =	sdelay $0x1  }
0xa1: {  	s23 =	simm.s32 $0x1B8B  }
0xa2: {  	_ =	swait.ge [sflag:s23], $0x1  }
0xa3: {  	[sflag:s23] =	ssyncset.done $0x0  }
0xa4: {  	s25 =	simm.s32 $0x1B8E;
	s24 =	sld [smem:$0x3FFE];
	[sflag:s23] =	ssyncadd.s32 $0xFFFFFFFF  }
0xa5: {  	s26 =	simm.s32 $execute0_lowered;
	[smem:$0x3FD2] =	sst s25  }
0xa6: {  	s5 =	sshll.u32 s26, $0x1;
	_ =	strace $0x80000046;
	[dreg:$0x1] =	wrdreg $0xFFFFFFFF  }
0xa7: {  	s28 =	simm.s32 $_size_execute0_lowered;
	s3 =	sadd.s32 s3, s5;
	[dreg:$0x0] =	wrdreg $0x0  }
0xa8: {  	s5 =	sshll.u32 s28, $0x1;
	[dreg:$0x2] =	wrdreg s3  }
0xa9: {  	[dreg:$0x3] =	wrdreg s5  }
0xaa: {  	[dreg:$0x4] =	wrdreg $0xC0  }
0xab: {  	_ =	task [dreg:s7], $0x5FFFF  }
0xac: {  	[dreg:$0x1] =	wrdreg $0xFFFFFFFF  }
0xad: {  	[dreg:$0x0] =	wrdreg $0x60  }
0xae: {  	[dreg:$0x2] =	wrdreg s24  }
0xaf: {  	[dreg:$0x3] =	wrdreg s2  }
0xb0: {  	[dreg:$0x4] =	wrdreg $0x9  }
0xb1: {  	_ =	task.clear_ibuf [dreg:s7], $0x5FFFF;
	_ =	strace $0x90000046  }
0xb2: {  	s29 =	simm.s32 $0x9;
	_ =	strace $0x80000048  }
0xb3: {  	_ =	swait.ge [sflag:s29], $0x1  }
0xb4: {  	[sflag:s29] =	ssyncadd.s32 $0xFFFFFFFF  }
0xb5: {  	_ =	strace $0x90000048  }
0xb6: {  	_ =	sfence  }
0xb7: {  	s30 =	sld [smem:$0x0];
	_ =	sdelay $0x2  }
0xb8: {  	s31 =	sshll.u32 s1, $0xD;
	s1 =	sshrl.u32 s1, $0x2  }
0xb9: {  	s3 =	sand.u32 $0x4000, s31;
	s1 =	sadd.s32 s1, s30  }
0xba: {  	s0 =	sor.u32 s3, s0;
	s1 =	sshll.u32 s1, $0x11  }
0xbb: {  	s0 =	sor.u32 s1, s0  }
0xbc: {  	s0 =	sadd.s32 $0x8F2B, s0  }
0xbd: {  	[sflag:s0] =	ssyncadd.remote.s32 $0x1  }
0xbe: {  	_ =	sfence.sel $0xFFFF  }
0xbf: {  	[dreg:$0x0] =	wrdreg $0xFFFFFFFF;
	(pc) =	sbr.abs _section_cstart, $3  }
0xc0: {  	[dreg:$0x1] =	wrdreg $0xFFFFFFFF  }
0xc1: {  	_ =	task.clear_ibuf [dreg:s7], $0x2FFFF;
	_ =	strace $0x9FFFFFFF  }
0xc2: {  	(tm) =	ssettm $0x7FFFFFFF  }
0xc3: {  	_ =	shalt  }
tec
execute0_lowered:
.L_overlay_start_1:
0x0: {  	(tag) =	ssettag $0x1  }
0x1: {  	s0 =	srdreg.scid  }
0x2: {  	s2 =	stileid.u32;
	s1 =	rddreg [dreg:$0x0]  }
0x3: {  	s6 =	rddreg [dreg:$0x1];
	s3 =	simm.s32 $0x0;
	s16 =	simm.s32 $0x80  }
0x4: {  	s17 =	simm.s32 $0x6400;
	s18 =	simm.s32 $0x8400;
	s19 =	simm.s32 $0xA400  }
0x5: {  	s20 =	simm.s32 $0xC400;
	s21 =	simm.s32 $0xE400;
	s22 =	simm.s32 $0x10400  }
0x6: {  	s23 =	simm.s32 $0x12400;
	s24 =	simm.s32 $0x14400;
	s28 =	simm.s32 $0x3  }
0x7: {  	s29 =	simm.s32 $0x4;
	s30 =	simm.s32 $0x5;
	s31 =	simm.s32 $0x6  }
0x8: {  	s0 =	sand.u32 $0x1, s0;
	s2 =	sshll.u32 s2, $0x1;
	[smem:$0x7FF] =	sst s3  }
0x9: {  	s5 =	sadd.s32 $0xF42E00, s1;
	s26 =	sadd.s32 $0x400, s6;
	s8 =	sadd.s32 $0x800, s6  }
0xa: {  	s9 =	sadd.s32 $0xC00, s6;
	s10 =	sadd.s32 $0x1000, s6;
	s11 =	sadd.s32 $0x1400, s6  }
0xb: {  	s12 =	sadd.s32 $0x1800, s6;
	s13 =	sadd.s32 $0x1C00, s6;
	s2 =	sor.u32 s0, s2  }
0xc: {  	s6 =	simm.s32 $0x0;
	s0 =	ssub.s32 $0x2, s0;
	s2 =	smul.u32 $0x6400, s2  }
0xd: {  	_ =	strace $0x80000047;
	[dreg:$0x4] =	wrdreg s26;
	s4 =	sshrl.u32 s0, $0x1  }
0xe: {  	s0 =	ssub.s32 s0, s4;
	s7 =	smov.u32 s2;
	s2 =	sshrl.u32 s2, $0x3  }
0xf: {  	s26 =	simm.s32 $0x2;
	s0 =	smax.u32 s0, $0x1;
	s2 =	sadd.s32 s2, s1  }
0x10: {  	[dreg:$0x5] =	wrdreg s0;
	s1 =	simm.s32 $0x7;
	s25 =	sadd.s32 $0xA00, s2  }
0x11: {  	s0 =	simm.s32 $0x8;
	[dreg:$0x3] =	wrdreg s25;
	s25 =	simm.s32 $0x1  }
.LBB2_1:
0x12: {  	[dreg:$0x6] =	wrdreg s6  }
0x13: {  	s2 =	rddreg [dreg:$0x3];
	s15 =	simm.s32 $0xB  }
0x14: {  	[tilespmem:s3], [sflag:$0xB] =	stream.linear.gather [hbm4b:s2+s3], $0x6400, $0x38;
	[tilespmem:$0x16400] =	vst v63  }
0x15: {  	_ =	swait.ge [sflag:s15], $0x6400  }
0x16: {  	[sflag:s15] =	ssyncset.done $0x0  }
0x17: {  	s6 =	simm.s32 $0x0;
	[sflag:s15] =	ssyncadd.s32 $0xFFFF9C00  }
.LBB2_2:
0x18: {  	p0 =	seq.s32 s6, $0x0  }
0x19: {  	s2 =	simm.s32 @!p0 $0x9  }
0x1a: {  	_ =	swait.ge @!p0 [sflag:s2], $0x2000  }
0x1b: {  	[sflag:s2] =	ssyncset.done @!p0 $0x0  }
0x1c: {  	[sflag:s2] =	ssyncadd.s32 @!p0 $0xFFFFE000  }
0x1d: {  	_ =	swait.ge @!p0 [sflag:s2], $0x2000  }
0x1e: {  	[sflag:s2] =	ssyncset.done @!p0 $0x0  }
0x1f: {  	[sflag:s2] =	ssyncadd.s32 @!p0 $0xFFFFE000  }
0x20: {  	_ =	swait.ge @!p0 [sflag:s2], $0x2000  }
0x21: {  	[sflag:s2] =	ssyncset.done @!p0 $0x0  }
0x22: {  	[sflag:s2] =	ssyncadd.s32 @!p0 $0xFFFFE000  }
0x23: {  	_ =	swait.ge @!p0 [sflag:s2], $0x2000  }
0x24: {  	[sflag:s2] =	ssyncset.done @!p0 $0x0  }
0x25: {  	s14 =	sshll.u32 s6, $0xA;
	[sflag:s2] =	ssyncadd.s32 @!p0 $0xFFFFE000  }
0x26: {  	[tilespmem:s17], [sflag:$0x1] =	stream.indirect.gather [hbm4b:s5+s16], $0x40, s14, s16, $0xb8;
	[tilespmem:$0x16400] =	vst v63  }
0x27: {  	s15 =	sadd.s32 $0x80, s14  }
0x28: {  	[tilespmem:s18], [sflag:$0x2] =	stream.indirect.gather [hbm4b:s5+s16], $0x40, s15, s16, $0xb8;
	[tilespmem:$0x16400] =	vst v63  }
0x29: {  	s4 =	sadd.s32 $0x100, s14  }
0x2a: {  	[tilespmem:s19], [sflag:$0x3] =	stream.indirect.gather [hbm4b:s5+s16], $0x40, s4, s16, $0xb8;
	[tilespmem:$0x16400] =	vst v63  }
0x2b: {  	s2 =	simm.s32 @!p0 $0xA;
	s15 =	sadd.s32 $0x180, s14  }
0x2c: {  	[tilespmem:s20], [sflag:$0x4] =	stream.indirect.gather [hbm4b:s5+s16], $0x40, s15, s16, $0xb8;
	[tilespmem:$0x16400] =	vst v63  }
0x2d: {  	_ =	swait.ge @!p0 [sflag:s2], $0x2000  }
0x2e: {  	[sflag:s2] =	ssyncset.done @!p0 $0x0  }
0x2f: {  	[sflag:s2] =	ssyncadd.s32 @!p0 $0xFFFFE000  }
0x30: {  	_ =	swait.ge @!p0 [sflag:s2], $0x2000  }
0x31: {  	[sflag:s2] =	ssyncset.done @!p0 $0x0  }
0x32: {  	[sflag:s2] =	ssyncadd.s32 @!p0 $0xFFFFE000  }
0x33: {  	_ =	swait.ge @!p0 [sflag:s2], $0x2000  }
0x34: {  	[sflag:s2] =	ssyncset.done @!p0 $0x0  }
0x35: {  	[sflag:s2] =	ssyncadd.s32 @!p0 $0xFFFFE000  }
0x36: {  	_ =	swait.ge @!p0 [sflag:s2], $0x2000  }
0x37: {  	[sflag:s2] =	ssyncset.done @!p0 $0x0  }
0x38: {  	s4 =	sadd.s32 $0x200, s14;
	[sflag:s2] =	ssyncadd.s32 @!p0 $0xFFFFE000  }
0x39: {  	[tilespmem:s21], [sflag:$0x5] =	stream.indirect.gather [hbm4b:s5+s16], $0x40, s4, s16, $0xb8;
	[tilespmem:$0x16400] =	vst v63  }
0x3a: {  	s15 =	sadd.s32 $0x280, s14  }
0x3b: {  	[tilespmem:s22], [sflag:$0x6] =	stream.indirect.gather [hbm4b:s5+s16], $0x40, s15, s16, $0xb8;
	[tilespmem:$0x16400] =	vst v63  }
0x3c: {  	s4 =	sadd.s32 $0x300, s14  }
0x3d: {  	[tilespmem:s23], [sflag:$0x7] =	stream.indirect.gather [hbm4b:s5+s16], $0x40, s4, s16, $0xb8;
	[tilespmem:$0x16400] =	vst v63  }
0x3e: {  	s15 =	sadd.s32 $0x380, s14  }
0x3f: {  	[tilespmem:s24], [sflag:$0x8] =	stream.indirect.gather [hbm4b:s5+s16], $0x40, s15, s16, $0xb8;
	[tilespmem:$0x16400] =	vst v63  }
0x40: {  	_ =	swait.ge [sflag:s25], $0x2000  }
0x41: {  	[sflag:s25] =	ssyncset.done $0x0  }
0x42: {  	s15 =	simm.s32 $0x6440;
	[sflag:s25] =	ssyncadd.s32 $0xFFFFE000  }
0x43: {  	v1 =	vld [tilespmem:s15+$0xFFFFFFC0];
	_ =	sdelay $0x1  }
0x44: {  	v4 =	vld [tilespmem:s15+$0xFFFFFFD0]  }
0x45: {  	v6 =	vld [tilespmem:s15+$0xFFFFFFE0]  }
0x46: {  	v2 =	vld [tilespmem:s15+$0x0]  }
0x47: {  	v0 =	vld [tilespmem:s15+$0x10];
	v5 =	vmul.f32 $8.000000000e+00, v1  }
0x48: {  	v3 =	vld [tilespmem:s15+$0x20]  }
0x49: {  	v1 =	vld [tilespmem:s15+$0x30];
	[tilespmem:s15+$0xFFFFFFC0] =	vst v5;
	v5 =	vmul.f32 $8.000000000e+00, v4  }
0x4a: {  	s2 =	simm.s32 $0x0;
	s4 =	simm.s32 $0x64C0;
	v6 =	vmul.f32 $8.000000000e+00, v6;
	v4 =	vld [tilespmem:s15+$0xFFFFFFF0]  }
.LBB2_3:
0x4b: {  	v7 =	vld [tilespmem:s4+$0xFFFFFFC0];
	[tilespmem:s15+$0xFFFFFFD0] =	vst v5;
	v2 =	vmul.f32 $8.000000000e+00, v2  }
0x4c: {  	s2 =	sadd.s32 $0x2, s2;
	v5 =	vld [tilespmem:s4+$0xFFFFFFD0];
	[tilespmem:s15+$0xFFFFFFE0] =	vst v6;
	v0 =	vmul.f32 $8.000000000e+00, v0  }
0x4d: {  	p0 =	slt.u32 s2, $0x7E;
	v6 =	vld [tilespmem:s4+$0xFFFFFFE0];
	[tilespmem:s15+$0x0] =	vst v2;
	v3 =	vmul.f32 $8.000000000e+00, v3  }
.Ltmp0:
0x4e: {  	v2 =	vld [tilespmem:s4+$0x0];
	[tilespmem:s15+$0x10] =	vst v0;
	v1 =	vmul.f32 $8.000000000e+00, v1;
	(pc) =	sbr.rel @p0 .LBB2_3-.Ltmp0, $4  }
0x4f: {  	v0 =	vld [tilespmem:s4+$0x10];
	v4 =	vmul.f32 $8.000000000e+00, v4;
	[tilespmem:s15+$0x20] =	vst v3  }
0x50: {  	v7 =	vmul.f32 $8.000000000e+00, v7;
	v3 =	vld [tilespmem:s4+$0x20];
	[tilespmem:s15+$0x30] =	vst v1  }
0x51: {  	v5 =	vmul.f32 $8.000000000e+00, v5;
	v1 =	vld [tilespmem:s4+$0x30];
	[tilespmem:s15+$0xFFFFFFF0] =	vst v4;
	s15 =	smov.u32 s4  }
0x52: {  	s4 =	sadd.s32 $0x80, s4;
	[tilespmem:s15+$0xFFFFFFC0] =	vst v7;
	v6 =	vmul.f32 $8.000000000e+00, v6;
	v4 =	vld [tilespmem:s15+$0xFFFFFFF0]  }
0x53: {  	[tilespmem:s15+$0xFFFFFFD0] =	vst v5;
	v2 =	vmul.f32 $8.000000000e+00, v2  }
0x54: {  	[tilespmem:s15+$0xFFFFFFE0] =	vst v6;
	v0 =	vmul.f32 $8.000000000e+00, v0  }
0x55: {  	[tilespmem:s15+$0x0] =	vst v2;
	v2 =	vmul.f32 $8.000000000e+00, v3  }
0x56: {  	[tilespmem:s15+$0x10] =	vst v0;
	v0 =	vmul.f32 $8.000000000e+00, v1  }
0x57: {  	v1 =	vmul.f32 $8.000000000e+00, v4;
	[tilespmem:s15+$0x20] =	vst v2  }
0x58: {  	s2 =	sadd.s32 s7, s14;
	[tilespmem:s15+$0x30] =	vst v0  }
0x59: {  	s14 =	sshll.u32 s2, $0x3;
	[tilespmem:s15+$0xFFFFFFF0] =	vst v1;
	s15 =	rddreg [dreg:$0x1]  }
0x5a: {  	s2 =	sadd.s32 s15, s14  }
0x5b: {  	[hbm4b:s2+s3] =	stream.linear.scatter [tilespmem:s17], [sflag:$0x9], $0x2000, $0x38;
	[tilespmem:$0x16400] =	vst v63  }
0x5c: {  	_ =	swait.ge [sflag:s26], $0x2000  }
0x5d: {  	[sflag:s26] =	ssyncset.done $0x0  }
0x5e: {  	s15 =	simm.s32 $0x8440;
	[sflag:s26] =	ssyncadd.s32 $0xFFFFE000  }
0x5f: {  	v1 =	vld [tilespmem:s15+$0xFFFFFFC0];
	_ =	sdelay $0x1  }
0x60: {  	v4 =	vld [tilespmem:s15+$0xFFFFFFD0]  }
0x61: {  	v6 =	vld [tilespmem:s15+$0xFFFFFFE0]  }
0x62: {  	v2 =	vld [tilespmem:s15+$0x0]  }
0x63: {  	v0 =	vld [tilespmem:s15+$0x10];
	v5 =	vmul.f32 $8.000000000e+00, v1  }
0x64: {  	v3 =	vld [tilespmem:s15+$0x20]  }
0x65: {  	v1 =	vld [tilespmem:s15+$0x30];
	[tilespmem:s15+$0xFFFFFFC0] =	vst v5;
	v5 =	vmul.f32 $8.000000000e+00, v4  }
0x66: {  	s4 =	simm.s32 $0x84C0;
	s2 =	simm.s32 $0x0;
	v6 =	vmul.f32 $8.000000000e+00, v6;
	v4 =	vld [tilespmem:s15+$0xFFFFFFF0]  }
.LBB2_5:
0x67: {  	v7 =	vld [tilespmem:s4+$0xFFFFFFC0];
	[tilespmem:s15+$0xFFFFFFD0] =	vst v5;
	v2 =	vmul.f32 $8.000000000e+00, v2  }
0x68: {  	s2 =	sadd.s32 $0x2, s2;
	v5 =	vld [tilespmem:s4+$0xFFFFFFD0];
	[tilespmem:s15+$0xFFFFFFE0] =	vst v6;
	v0 =	vmul.f32 $8.000000000e+00, v0  }
0x69: {  	p0 =	slt.u32 s2, $0x7E;
	v6 =	vld [tilespmem:s4+$0xFFFFFFE0];
	[tilespmem:s15+$0x0] =	vst v2;
	v3 =	vmul.f32 $8.000000000e+00, v3  }
.Ltmp1:
0x6a: {  	v2 =	vld [tilespmem:s4+$0x0];
	[tilespmem:s15+$0x10] =	vst v0;
	v1 =	vmul.f32 $8.000000000e+00, v1;
	(pc) =	sbr.rel @p0 .LBB2_5-.Ltmp1, $4  }
0x6b: {  	v0 =	vld [tilespmem:s4+$0x10];
	v4 =	vmul.f32 $8.000000000e+00, v4;
	[tilespmem:s15+$0x20] =	vst v3  }
0x6c: {  	v7 =	vmul.f32 $8.000000000e+00, v7;
	v3 =	vld [tilespmem:s4+$0x20];
	[tilespmem:s15+$0x30] =	vst v1  }
0x6d: {  	v5 =	vmul.f32 $8.000000000e+00, v5;
	v1 =	vld [tilespmem:s4+$0x30];
	[tilespmem:s15+$0xFFFFFFF0] =	vst v4;
	s15 =	smov.u32 s4  }
0x6e: {  	s4 =	sadd.s32 $0x80, s4;
	[tilespmem:s15+$0xFFFFFFC0] =	vst v7;
	v6 =	vmul.f32 $8.000000000e+00, v6;
	v4 =	vld [tilespmem:s15+$0xFFFFFFF0]  }
0x6f: {  	[tilespmem:s15+$0xFFFFFFD0] =	vst v5;
	v2 =	vmul.f32 $8.000000000e+00, v2  }
0x70: {  	[tilespmem:s15+$0xFFFFFFE0] =	vst v6;
	v0 =	vmul.f32 $8.000000000e+00, v0  }
0x71: {  	[tilespmem:s15+$0x0] =	vst v2;
	v2 =	vmul.f32 $8.000000000e+00, v3  }
0x72: {  	[tilespmem:s15+$0x10] =	vst v0;
	v0 =	vmul.f32 $8.000000000e+00, v1  }
0x73: {  	v1 =	vmul.f32 $8.000000000e+00, v4;
	[tilespmem:s15+$0x20] =	vst v2  }
0x74: {  	s2 =	rddreg [dreg:$0x4];
	[tilespmem:s15+$0x30] =	vst v0  }
0x75: {  	s2 =	sadd.s32 s14, s2;
	[tilespmem:s15+$0xFFFFFFF0] =	vst v1  }
0x76: {  	[hbm4b:s2+s3] =	stream.linear.scatter [tilespmem:s18], [sflag:$0x9], $0x2000, $0x38;
	[tilespmem:$0x16400] =	vst v63  }
0x77: {  	_ =	swait.ge [sflag:s28], $0x2000  }
0x78: {  	[sflag:s28] =	ssyncset.done $0x0  }
0x79: {  	s15 =	simm.s32 $0xA440;
	[sflag:s28] =	ssyncadd.s32 $0xFFFFE000  }
0x7a: {  	v1 =	vld [tilespmem:s15+$0xFFFFFFC0];
	_ =	sdelay $0x1  }
0x7b: {  	v4 =	vld [tilespmem:s15+$0xFFFFFFD0]  }
0x7c: {  	v6 =	vld [tilespmem:s15+$0xFFFFFFE0]  }
0x7d: {  	v2 =	vld [tilespmem:s15+$0x0]  }
0x7e: {  	v0 =	vld [tilespmem:s15+$0x10];
	v5 =	vmul.f32 $8.000000000e+00, v1  }
0x7f: {  	v3 =	vld [tilespmem:s15+$0x20]  }
0x80: {  	v1 =	vld [tilespmem:s15+$0x30];
	[tilespmem:s15+$0xFFFFFFC0] =	vst v5;
	v5 =	vmul.f32 $8.000000000e+00, v4  }
0x81: {  	s4 =	simm.s32 $0xA4C0;
	s2 =	simm.s32 $0x0;
	v6 =	vmul.f32 $8.000000000e+00, v6;
	v4 =	vld [tilespmem:s15+$0xFFFFFFF0]  }
.LBB2_7:
0x82: {  	v7 =	vld [tilespmem:s4+$0xFFFFFFC0];
	[tilespmem:s15+$0xFFFFFFD0] =	vst v5;
	v2 =	vmul.f32 $8.000000000e+00, v2  }
0x83: {  	s2 =	sadd.s32 $0x2, s2;
	v5 =	vld [tilespmem:s4+$0xFFFFFFD0];
	[tilespmem:s15+$0xFFFFFFE0] =	vst v6;
	v0 =	vmul.f32 $8.000000000e+00, v0  }
0x84: {  	p0 =	slt.u32 s2, $0x7E;
	v6 =	vld [tilespmem:s4+$0xFFFFFFE0];
	[tilespmem:s15+$0x0] =	vst v2;
	v3 =	vmul.f32 $8.000000000e+00, v3  }
.Ltmp2:
0x85: {  	v2 =	vld [tilespmem:s4+$0x0];
	[tilespmem:s15+$0x10] =	vst v0;
	v1 =	vmul.f32 $8.000000000e+00, v1;
	(pc) =	sbr.rel @p0 .LBB2_7-.Ltmp2, $4  }
0x86: {  	v0 =	vld [tilespmem:s4+$0x10];
	v4 =	vmul.f32 $8.000000000e+00, v4;
	[tilespmem:s15+$0x20] =	vst v3  }
0x87: {  	v7 =	vmul.f32 $8.000000000e+00, v7;
	v3 =	vld [tilespmem:s4+$0x20];
	[tilespmem:s15+$0x30] =	vst v1  }
0x88: {  	v5 =	vmul.f32 $8.000000000e+00, v5;
	v1 =	vld [tilespmem:s4+$0x30];
	[tilespmem:s15+$0xFFFFFFF0] =	vst v4;
	s15 =	smov.u32 s4  }
0x89: {  	s4 =	sadd.s32 $0x80, s4;
	[tilespmem:s15+$0xFFFFFFC0] =	vst v7;
	v6 =	vmul.f32 $8.000000000e+00, v6;
	v4 =	vld [tilespmem:s15+$0xFFFFFFF0]  }
0x8a: {  	[tilespmem:s15+$0xFFFFFFD0] =	vst v5;
	v2 =	vmul.f32 $8.000000000e+00, v2  }
0x8b: {  	[tilespmem:s15+$0xFFFFFFE0] =	vst v6;
	v0 =	vmul.f32 $8.000000000e+00, v0  }
0x8c: {  	[tilespmem:s15+$0x0] =	vst v2;
	v2 =	vmul.f32 $8.000000000e+00, v3  }
0x8d: {  	[tilespmem:s15+$0x10] =	vst v0;
	v0 =	vmul.f32 $8.000000000e+00, v1  }
0x8e: {  	v1 =	vmul.f32 $8.000000000e+00, v4;
	[tilespmem:s15+$0x20] =	vst v2  }
0x8f: {  	[tilespmem:s15+$0x30] =	vst v0  }
0x90: {  	s2 =	sadd.s32 s14, s8;
	[tilespmem:s15+$0xFFFFFFF0] =	vst v1  }
0x91: {  	[hbm4b:s2+s3] =	stream.linear.scatter [tilespmem:s19], [sflag:$0x9], $0x2000, $0x38;
	[tilespmem:$0x16400] =	vst v63  }
0x92: {  	_ =	swait.ge [sflag:s29], $0x2000  }
0x93: {  	[sflag:s29] =	ssyncset.done $0x0  }
0x94: {  	s15 =	simm.s32 $0xC440;
	[sflag:s29] =	ssyncadd.s32 $0xFFFFE000  }
0x95: {  	v1 =	vld [tilespmem:s15+$0xFFFFFFC0];
	_ =	sdelay $0x1  }
0x96: {  	v4 =	vld [tilespmem:s15+$0xFFFFFFD0]  }
0x97: {  	v6 =	vld [tilespmem:s15+$0xFFFFFFE0]  }
0x98: {  	v2 =	vld [tilespmem:s15+$0x0]  }
0x99: {  	v0 =	vld [tilespmem:s15+$0x10];
	v5 =	vmul.f32 $8.000000000e+00, v1  }
0x9a: {  	v3 =	vld [tilespmem:s15+$0x20]  }
0x9b: {  	v1 =	vld [tilespmem:s15+$0x30];
	[tilespmem:s15+$0xFFFFFFC0] =	vst v5;
	v5 =	vmul.f32 $8.000000000e+00, v4  }
0x9c: {  	s4 =	simm.s32 $0xC4C0;
	s2 =	simm.s32 $0x0;
	v6 =	vmul.f32 $8.000000000e+00, v6;
	v4 =	vld [tilespmem:s15+$0xFFFFFFF0]  }
.LBB2_9:
0x9d: {  	v7 =	vld [tilespmem:s4+$0xFFFFFFC0];
	[tilespmem:s15+$0xFFFFFFD0] =	vst v5;
	v2 =	vmul.f32 $8.000000000e+00, v2  }
0x9e: {  	s2 =	sadd.s32 $0x2, s2;
	v5 =	vld [tilespmem:s4+$0xFFFFFFD0];
	[tilespmem:s15+$0xFFFFFFE0] =	vst v6;
	v0 =	vmul.f32 $8.000000000e+00, v0  }
0x9f: {  	p0 =	slt.u32 s2, $0x7E;
	v6 =	vld [tilespmem:s4+$0xFFFFFFE0];
	[tilespmem:s15+$0x0] =	vst v2;
	v3 =	vmul.f32 $8.000000000e+00, v3  }
.Ltmp3:
0xa0: {  	v2 =	vld [tilespmem:s4+$0x0];
	[tilespmem:s15+$0x10] =	vst v0;
	v1 =	vmul.f32 $8.000000000e+00, v1;
	(pc) =	sbr.rel @p0 .LBB2_9-.Ltmp3, $4  }
0xa1: {  	v0 =	vld [tilespmem:s4+$0x10];
	v4 =	vmul.f32 $8.000000000e+00, v4;
	[tilespmem:s15+$0x20] =	vst v3  }
0xa2: {  	v7 =	vmul.f32 $8.000000000e+00, v7;
	v3 =	vld [tilespmem:s4+$0x20];
	[tilespmem:s15+$0x30] =	vst v1  }
0xa3: {  	v5 =	vmul.f32 $8.000000000e+00, v5;
	v1 =	vld [tilespmem:s4+$0x30];
	[tilespmem:s15+$0xFFFFFFF0] =	vst v4;
	s15 =	smov.u32 s4  }
0xa4: {  	s4 =	sadd.s32 $0x80, s4;
	[tilespmem:s15+$0xFFFFFFC0] =	vst v7;
	v6 =	vmul.f32 $8.000000000e+00, v6;
	v4 =	vld [tilespmem:s15+$0xFFFFFFF0]  }
0xa5: {  	[tilespmem:s15+$0xFFFFFFD0] =	vst v5;
	v2 =	vmul.f32 $8.000000000e+00, v2  }
0xa6: {  	[tilespmem:s15+$0xFFFFFFE0] =	vst v6;
	v0 =	vmul.f32 $8.000000000e+00, v0  }
0xa7: {  	[tilespmem:s15+$0x0] =	vst v2;
	v2 =	vmul.f32 $8.000000000e+00, v3  }
0xa8: {  	[tilespmem:s15+$0x10] =	vst v0;
	v0 =	vmul.f32 $8.000000000e+00, v1  }
0xa9: {  	v1 =	vmul.f32 $8.000000000e+00, v4;
	[tilespmem:s15+$0x20] =	vst v2  }
0xaa: {  	[tilespmem:s15+$0x30] =	vst v0  }
0xab: {  	s2 =	sadd.s32 s14, s9;
	[tilespmem:s15+$0xFFFFFFF0] =	vst v1  }
0xac: {  	[hbm4b:s2+s3] =	stream.linear.scatter [tilespmem:s20], [sflag:$0x9], $0x2000, $0x38;
	[tilespmem:$0x16400] =	vst v63  }
0xad: {  	_ =	swait.ge [sflag:s30], $0x2000  }
0xae: {  	[sflag:s30] =	ssyncset.done $0x0  }
0xaf: {  	s15 =	simm.s32 $0xE440;
	[sflag:s30] =	ssyncadd.s32 $0xFFFFE000  }
0xb0: {  	v1 =	vld [tilespmem:s15+$0xFFFFFFC0];
	_ =	sdelay $0x1  }
0xb1: {  	v4 =	vld [tilespmem:s15+$0xFFFFFFD0]  }
0xb2: {  	v6 =	vld [tilespmem:s15+$0xFFFFFFE0]  }
0xb3: {  	v2 =	vld [tilespmem:s15+$0x0]  }
0xb4: {  	v0 =	vld [tilespmem:s15+$0x10];
	v5 =	vmul.f32 $8.000000000e+00, v1  }
0xb5: {  	v3 =	vld [tilespmem:s15+$0x20]  }
0xb6: {  	v1 =	vld [tilespmem:s15+$0x30];
	[tilespmem:s15+$0xFFFFFFC0] =	vst v5;
	v5 =	vmul.f32 $8.000000000e+00, v4  }
0xb7: {  	s4 =	simm.s32 $0xE4C0;
	s2 =	simm.s32 $0x0;
	v6 =	vmul.f32 $8.000000000e+00, v6;
	v4 =	vld [tilespmem:s15+$0xFFFFFFF0]  }
.LBB2_11:
0xb8: {  	v7 =	vld [tilespmem:s4+$0xFFFFFFC0];
	[tilespmem:s15+$0xFFFFFFD0] =	vst v5;
	v2 =	vmul.f32 $8.000000000e+00, v2  }
0xb9: {  	s2 =	sadd.s32 $0x2, s2;
	v5 =	vld [tilespmem:s4+$0xFFFFFFD0];
	[tilespmem:s15+$0xFFFFFFE0] =	vst v6;
	v0 =	vmul.f32 $8.000000000e+00, v0  }
0xba: {  	p0 =	slt.u32 s2, $0x7E;
	v6 =	vld [tilespmem:s4+$0xFFFFFFE0];
	[tilespmem:s15+$0x0] =	vst v2;
	v3 =	vmul.f32 $8.000000000e+00, v3  }
.Ltmp4:
0xbb: {  	v2 =	vld [tilespmem:s4+$0x0];
	[tilespmem:s15+$0x10] =	vst v0;
	v1 =	vmul.f32 $8.000000000e+00, v1;
	(pc) =	sbr.rel @p0 .LBB2_11-.Ltmp4, $4  }
0xbc: {  	v0 =	vld [tilespmem:s4+$0x10];
	v4 =	vmul.f32 $8.000000000e+00, v4;
	[tilespmem:s15+$0x20] =	vst v3  }
0xbd: {  	v7 =	vmul.f32 $8.000000000e+00, v7;
	v3 =	vld [tilespmem:s4+$0x20];
	[tilespmem:s15+$0x30] =	vst v1  }
0xbe: {  	v5 =	vmul.f32 $8.000000000e+00, v5;
	v1 =	vld [tilespmem:s4+$0x30];
	[tilespmem:s15+$0xFFFFFFF0] =	vst v4;
	s15 =	smov.u32 s4  }
0xbf: {  	s4 =	sadd.s32 $0x80, s4;
	[tilespmem:s15+$0xFFFFFFC0] =	vst v7;
	v6 =	vmul.f32 $8.000000000e+00, v6;
	v4 =	vld [tilespmem:s15+$0xFFFFFFF0]  }
0xc0: {  	[tilespmem:s15+$0xFFFFFFD0] =	vst v5;
	v2 =	vmul.f32 $8.000000000e+00, v2  }
0xc1: {  	[tilespmem:s15+$0xFFFFFFE0] =	vst v6;
	v0 =	vmul.f32 $8.000000000e+00, v0  }
0xc2: {  	[tilespmem:s15+$0x0] =	vst v2;
	v2 =	vmul.f32 $8.000000000e+00, v3  }
0xc3: {  	[tilespmem:s15+$0x10] =	vst v0;
	v0 =	vmul.f32 $8.000000000e+00, v1  }
0xc4: {  	v1 =	vmul.f32 $8.000000000e+00, v4;
	[tilespmem:s15+$0x20] =	vst v2  }
0xc5: {  	[tilespmem:s15+$0x30] =	vst v0  }
0xc6: {  	s2 =	sadd.s32 s14, s10;
	[tilespmem:s15+$0xFFFFFFF0] =	vst v1  }
0xc7: {  	[hbm4b:s2+s3] =	stream.linear.scatter [tilespmem:s21], [sflag:$0xA], $0x2000, $0x38;
	[tilespmem:$0x16400] =	vst v63  }
0xc8: {  	_ =	swait.ge [sflag:s31], $0x2000  }
0xc9: {  	[sflag:s31] =	ssyncset.done $0x0  }
0xca: {  	s15 =	simm.s32 $0x10440;
	[sflag:s31] =	ssyncadd.s32 $0xFFFFE000  }
0xcb: {  	v1 =	vld [tilespmem:s15+$0xFFFFFFC0];
	_ =	sdelay $0x1  }
0xcc: {  	v4 =	vld [tilespmem:s15+$0xFFFFFFD0]  }
0xcd: {  	v6 =	vld [tilespmem:s15+$0xFFFFFFE0]  }
0xce: {  	v2 =	vld [tilespmem:s15+$0x0]  }
0xcf: {  	v0 =	vld [tilespmem:s15+$0x10];
	v5 =	vmul.f32 $8.000000000e+00, v1  }
0xd0: {  	v3 =	vld [tilespmem:s15+$0x20]  }
0xd1: {  	v1 =	vld [tilespmem:s15+$0x30];
	[tilespmem:s15+$0xFFFFFFC0] =	vst v5;
	v5 =	vmul.f32 $8.000000000e+00, v4  }
0xd2: {  	s4 =	simm.s32 $0x104C0;
	s2 =	simm.s32 $0x0;
	v6 =	vmul.f32 $8.000000000e+00, v6;
	v4 =	vld [tilespmem:s15+$0xFFFFFFF0]  }
.LBB2_13:
0xd3: {  	v7 =	vld [tilespmem:s4+$0xFFFFFFC0];
	[tilespmem:s15+$0xFFFFFFD0] =	vst v5;
	v2 =	vmul.f32 $8.000000000e+00, v2  }
0xd4: {  	s2 =	sadd.s32 $0x2, s2;
	v5 =	vld [tilespmem:s4+$0xFFFFFFD0];
	[tilespmem:s15+$0xFFFFFFE0] =	vst v6;
	v0 =	vmul.f32 $8.000000000e+00, v0  }
0xd5: {  	p0 =	slt.u32 s2, $0x7E;
	v6 =	vld [tilespmem:s4+$0xFFFFFFE0];
	[tilespmem:s15+$0x0] =	vst v2;
	v3 =	vmul.f32 $8.000000000e+00, v3  }
.Ltmp5:
0xd6: {  	v2 =	vld [tilespmem:s4+$0x0];
	[tilespmem:s15+$0x10] =	vst v0;
	v1 =	vmul.f32 $8.000000000e+00, v1;
	(pc) =	sbr.rel @p0 .LBB2_13-.Ltmp5, $4  }
0xd7: {  	v0 =	vld [tilespmem:s4+$0x10];
	v4 =	vmul.f32 $8.000000000e+00, v4;
	[tilespmem:s15+$0x20] =	vst v3  }
0xd8: {  	v7 =	vmul.f32 $8.000000000e+00, v7;
	v3 =	vld [tilespmem:s4+$0x20];
	[tilespmem:s15+$0x30] =	vst v1  }
0xd9: {  	v5 =	vmul.f32 $8.000000000e+00, v5;
	v1 =	vld [tilespmem:s4+$0x30];
	[tilespmem:s15+$0xFFFFFFF0] =	vst v4;
	s15 =	smov.u32 s4  }
0xda: {  	s4 =	sadd.s32 $0x80, s4;
	[tilespmem:s15+$0xFFFFFFC0] =	vst v7;
	v6 =	vmul.f32 $8.000000000e+00, v6;
	v4 =	vld [tilespmem:s15+$0xFFFFFFF0]  }
0xdb: {  	[tilespmem:s15+$0xFFFFFFD0] =	vst v5;
	v2 =	vmul.f32 $8.000000000e+00, v2  }
0xdc: {  	[tilespmem:s15+$0xFFFFFFE0] =	vst v6;
	v0 =	vmul.f32 $8.000000000e+00, v0  }
0xdd: {  	[tilespmem:s15+$0x0] =	vst v2;
	v2 =	vmul.f32 $8.000000000e+00, v3  }
0xde: {  	[tilespmem:s15+$0x10] =	vst v0;
	v0 =	vmul.f32 $8.000000000e+00, v1  }
0xdf: {  	v1 =	vmul.f32 $8.000000000e+00, v4;
	[tilespmem:s15+$0x20] =	vst v2  }
0xe0: {  	[tilespmem:s15+$0x30] =	vst v0  }
0xe1: {  	s2 =	sadd.s32 s14, s11;
	[tilespmem:s15+$0xFFFFFFF0] =	vst v1  }
0xe2: {  	[hbm4b:s2+s3] =	stream.linear.scatter [tilespmem:s22], [sflag:$0xA], $0x2000, $0x38;
	[tilespmem:$0x16400] =	vst v63  }
0xe3: {  	_ =	swait.ge [sflag:s1], $0x2000  }
0xe4: {  	[sflag:s1] =	ssyncset.done $0x0  }
0xe5: {  	s15 =	simm.s32 $0x12440;
	[sflag:s1] =	ssyncadd.s32 $0xFFFFE000  }
0xe6: {  	v1 =	vld [tilespmem:s15+$0xFFFFFFC0];
	_ =	sdelay $0x1  }
0xe7: {  	v4 =	vld [tilespmem:s15+$0xFFFFFFD0]  }
0xe8: {  	v6 =	vld [tilespmem:s15+$0xFFFFFFE0]  }
0xe9: {  	v2 =	vld [tilespmem:s15+$0x0]  }
0xea: {  	v0 =	vld [tilespmem:s15+$0x10];
	v5 =	vmul.f32 $8.000000000e+00, v1  }
0xeb: {  	v3 =	vld [tilespmem:s15+$0x20]  }
0xec: {  	v1 =	vld [tilespmem:s15+$0x30];
	[tilespmem:s15+$0xFFFFFFC0] =	vst v5;
	v5 =	vmul.f32 $8.000000000e+00, v4  }
0xed: {  	s4 =	simm.s32 $0x124C0;
	s2 =	simm.s32 $0x0;
	v6 =	vmul.f32 $8.000000000e+00, v6;
	v4 =	vld [tilespmem:s15+$0xFFFFFFF0]  }
.LBB2_15:
0xee: {  	v7 =	vld [tilespmem:s4+$0xFFFFFFC0];
	[tilespmem:s15+$0xFFFFFFD0] =	vst v5;
	v2 =	vmul.f32 $8.000000000e+00, v2  }
0xef: {  	s2 =	sadd.s32 $0x2, s2;
	v5 =	vld [tilespmem:s4+$0xFFFFFFD0];
	[tilespmem:s15+$0xFFFFFFE0] =	vst v6;
	v0 =	vmul.f32 $8.000000000e+00, v0  }
0xf0: {  	p0 =	slt.u32 s2, $0x7E;
	v6 =	vld [tilespmem:s4+$0xFFFFFFE0];
	[tilespmem:s15+$0x0] =	vst v2;
	v3 =	vmul.f32 $8.000000000e+00, v3  }
.Ltmp6:
0xf1: {  	v2 =	vld [tilespmem:s4+$0x0];
	[tilespmem:s15+$0x10] =	vst v0;
	v1 =	vmul.f32 $8.000000000e+00, v1;
	(pc) =	sbr.rel @p0 .LBB2_15-.Ltmp6, $4  }
0xf2: {  	v0 =	vld [tilespmem:s4+$0x10];
	v4 =	vmul.f32 $8.000000000e+00, v4;
	[tilespmem:s15+$0x20] =	vst v3  }
0xf3: {  	v7 =	vmul.f32 $8.000000000e+00, v7;
	v3 =	vld [tilespmem:s4+$0x20];
	[tilespmem:s15+$0x30] =	vst v1  }
0xf4: {  	v5 =	vmul.f32 $8.000000000e+00, v5;
	v1 =	vld [tilespmem:s4+$0x30];
	[tilespmem:s15+$0xFFFFFFF0] =	vst v4;
	s15 =	smov.u32 s4  }
0xf5: {  	s4 =	sadd.s32 $0x80, s4;
	[tilespmem:s15+$0xFFFFFFC0] =	vst v7;
	v6 =	vmul.f32 $8.000000000e+00, v6;
	v4 =	vld [tilespmem:s15+$0xFFFFFFF0]  }
0xf6: {  	[tilespmem:s15+$0xFFFFFFD0] =	vst v5;
	v2 =	vmul.f32 $8.000000000e+00, v2  }
0xf7: {  	[tilespmem:s15+$0xFFFFFFE0] =	vst v6;
	v0 =	vmul.f32 $8.000000000e+00, v0  }
0xf8: {  	[tilespmem:s15+$0x0] =	vst v2;
	v2 =	vmul.f32 $8.000000000e+00, v3  }
0xf9: {  	[tilespmem:s15+$0x10] =	vst v0;
	v0 =	vmul.f32 $8.000000000e+00, v1  }
0xfa: {  	v1 =	vmul.f32 $8.000000000e+00, v4;
	[tilespmem:s15+$0x20] =	vst v2  }
0xfb: {  	[tilespmem:s15+$0x30] =	vst v0  }
0xfc: {  	s2 =	sadd.s32 s14, s12;
	[tilespmem:s15+$0xFFFFFFF0] =	vst v1  }
0xfd: {  	[hbm4b:s2+s3] =	stream.linear.scatter [tilespmem:s23], [sflag:$0xA], $0x2000, $0x38;
	[tilespmem:$0x16400] =	vst v63  }
0xfe: {  	_ =	swait.ge [sflag:s0], $0x2000  }
0xff: {  	[sflag:s0] =	ssyncset.done $0x0  }
0x100: {  	s15 =	simm.s32 $0x14440;
	[sflag:s0] =	ssyncadd.s32 $0xFFFFE000  }
0x101: {  	v1 =	vld [tilespmem:s15+$0xFFFFFFC0];
	_ =	sdelay $0x1  }
0x102: {  	v4 =	vld [tilespmem:s15+$0xFFFFFFD0]  }
0x103: {  	v6 =	vld [tilespmem:s15+$0xFFFFFFE0]  }
0x104: {  	v2 =	vld [tilespmem:s15+$0x0]  }
0x105: {  	v0 =	vld [tilespmem:s15+$0x10];
	v5 =	vmul.f32 $8.000000000e+00, v1  }
0x106: {  	v3 =	vld [tilespmem:s15+$0x20]  }
0x107: {  	v1 =	vld [tilespmem:s15+$0x30];
	[tilespmem:s15+$0xFFFFFFC0] =	vst v5;
	v5 =	vmul.f32 $8.000000000e+00, v4  }
0x108: {  	s4 =	simm.s32 $0x144C0;
	s2 =	simm.s32 $0x0;
	v6 =	vmul.f32 $8.000000000e+00, v6;
	v4 =	vld [tilespmem:s15+$0xFFFFFFF0]  }
.LBB2_17:
0x109: {  	v7 =	vld [tilespmem:s4+$0xFFFFFFC0];
	[tilespmem:s15+$0xFFFFFFD0] =	vst v5;
	v2 =	vmul.f32 $8.000000000e+00, v2  }
0x10a: {  	s2 =	sadd.s32 $0x2, s2;
	v5 =	vld [tilespmem:s4+$0xFFFFFFD0];
	[tilespmem:s15+$0xFFFFFFE0] =	vst v6;
	v0 =	vmul.f32 $8.000000000e+00, v0  }
0x10b: {  	p0 =	slt.u32 s2, $0x7E;
	v6 =	vld [tilespmem:s4+$0xFFFFFFE0];
	[tilespmem:s15+$0x0] =	vst v2;
	v3 =	vmul.f32 $8.000000000e+00, v3  }
.Ltmp7:
0x10c: {  	v2 =	vld [tilespmem:s4+$0x0];
	[tilespmem:s15+$0x10] =	vst v0;
	v1 =	vmul.f32 $8.000000000e+00, v1;
	(pc) =	sbr.rel @p0 .LBB2_17-.Ltmp7, $4  }
0x10d: {  	v0 =	vld [tilespmem:s4+$0x10];
	v4 =	vmul.f32 $8.000000000e+00, v4;
	[tilespmem:s15+$0x20] =	vst v3  }
0x10e: {  	v7 =	vmul.f32 $8.000000000e+00, v7;
	v3 =	vld [tilespmem:s4+$0x20];
	[tilespmem:s15+$0x30] =	vst v1  }
0x10f: {  	v5 =	vmul.f32 $8.000000000e+00, v5;
	v1 =	vld [tilespmem:s4+$0x30];
	[tilespmem:s15+$0xFFFFFFF0] =	vst v4;
	s15 =	smov.u32 s4  }
0x110: {  	s4 =	sadd.s32 $0x80, s4;
	[tilespmem:s15+$0xFFFFFFC0] =	vst v7;
	v6 =	vmul.f32 $8.000000000e+00, v6;
	v4 =	vld [tilespmem:s15+$0xFFFFFFF0]  }
0x111: {  	[tilespmem:s15+$0xFFFFFFD0] =	vst v5;
	v2 =	vmul.f32 $8.000000000e+00, v2  }
0x112: {  	s6 =	sadd.s32 $0x1, s6;
	[tilespmem:s15+$0xFFFFFFE0] =	vst v6;
	v0 =	vmul.f32 $8.000000000e+00, v0  }
0x113: {  	p0 =	sne.s32 s6, $0x19;
	[tilespmem:s15+$0x0] =	vst v2;
	v61 =	vmul.f32 $8.000000000e+00, v3  }
.Ltmp8:
0x114: {  	[tilespmem:s15+$0x10] =	vst v0;
	v62 =	vmul.f32 $8.000000000e+00, v1;
	(pc) =	sbr.rel @p0 .LBB2_2-.Ltmp8, $4  }
0x115: {  	v63 =	vmul.f32 $8.000000000e+00, v4;
	[tilespmem:s15+$0x20] =	vst v61  }
0x116: {  	[tilespmem:s15+$0x30] =	vst v62  }
0x117: {  	s2 =	sadd.s32 s14, s13;
	[tilespmem:s15+$0xFFFFFFF0] =	vst v63  }
0x118: {  	[hbm4b:s2+s3] =	stream.linear.scatter [tilespmem:s24], [sflag:$0xA], $0x2000, $0x38;
	[tilespmem:$0x16400] =	vst v63  }
0x119: {  	s2 =	simm.s32 $0x9  }
0x11a: {  	_ =	swait.ge [sflag:s2], $0x2000  }
0x11b: {  	[sflag:s2] =	ssyncset.done $0x0  }
0x11c: {  	[sflag:s2] =	ssyncadd.s32 $0xFFFFE000  }
0x11d: {  	_ =	swait.ge [sflag:s2], $0x2000  }
0x11e: {  	[sflag:s2] =	ssyncset.done $0x0  }
0x11f: {  	[sflag:s2] =	ssyncadd.s32 $0xFFFFE000  }
0x120: {  	_ =	swait.ge [sflag:s2], $0x2000  }
0x121: {  	[sflag:s2] =	ssyncset.done $0x0  }
0x122: {  	[sflag:s2] =	ssyncadd.s32 $0xFFFFE000  }
0x123: {  	_ =	swait.ge [sflag:s2], $0x2000  }
0x124: {  	[sflag:s2] =	ssyncset.done $0x0  }
0x125: {  	s4 =	simm.s32 $0xA;
	[sflag:s2] =	ssyncadd.s32 $0xFFFFE000  }
0x126: {  	_ =	swait.ge [sflag:s4], $0x2000  }
0x127: {  	[sflag:s4] =	ssyncset.done $0x0  }
0x128: {  	[sflag:s4] =	ssyncadd.s32 $0xFFFFE000  }
0x129: {  	_ =	swait.ge [sflag:s4], $0x2000  }
0x12a: {  	[sflag:s4] =	ssyncset.done $0x0  }
0x12b: {  	[sflag:s4] =	ssyncadd.s32 $0xFFFFE000  }
0x12c: {  	_ =	swait.ge [sflag:s4], $0x2000  }
0x12d: {  	[sflag:s4] =	ssyncset.done $0x0  }
0x12e: {  	[sflag:s4] =	ssyncadd.s32 $0xFFFFE000  }
0x12f: {  	_ =	swait.ge [sflag:s4], $0x2000  }
0x130: {  	s6 =	rddreg [dreg:$0x6]  }
0x131: {  	s15 =	rddreg [dreg:$0x5];
	s6 =	sadd.s32 $0x1, s6  }
0x132: {  	p0 =	sne.s32 s6, s15  }
.Ltmp9:
0x133: {  	_ = 	snop;
	(pc) =	sbr.rel @p0 .LBB2_1-.Ltmp9, $3  }
0x134: {  	_ =	sdelay $0x1  }
0x135: {  	[sflag:s4] =	ssyncset.done $0x0  }
0x136: {  	[sflag:s4] =	ssyncadd.s32 $0xFFFFE000  }
0x137: {  	_ =	sfence.sel $0x180000  }
0x138: {  	[bflag:$0x0] =	sbarrier.arrive $0xFFFF  }
0x139: {  	_ =	strace $0x90000047  }
0x13a: {  	s0 =	stileid.u32;
	[bflag:$0x2] =	sbarrier.arrive $0xFFFF  }
0x13b: {  	p0 =	sne.s32 s0, $0x0;
	s0 =	rddreg [dreg:$0x2]  }
0x13c: {  	s0 =	sadd.s32 @!p0 $0x100000, s0  }
0x13d: {  	[sflag:s0] =	ssyncadd.tile.s32 @!p0 $0x1;
	_ =	shalt  }
.Lfunc_end2:
_tile_overlayer_lowered:
.L_overlay_start_2:
0x13e: {  	(tag) =	ssettag $0x2  }
0x13f: {  	s0 =	rddreg [dreg:$0x0];
	s2 =	stileid.u32  }
0x140: {  	s1 =	rddreg [dreg:$0x1];
	p0 =	sne.s32 s2, $0x0  }
0x141: {  	s3 =	rddreg [dreg:$0x2];
	[bflag:$0x3] =	sbarrier.arrive $0xFFFF;
	s2 =	simm.s32 @!p0 $0x1C0B  }
0x142: {  	[timem:s3], [sflag:s2] =	dma.local @!p0 [hbm:s0], s1  }
0x143: {  	s0 =	simm.s32 @!p0 $0xB  }
0x144: {  	_ =	swait.ge @!p0 [sflag:s0], s1  }
0x145: {  	s1 =	ssub.s32 @!p0 $0x0, s1;
	[sflag:s0] =	ssyncset.done @!p0 $0x0  }
0x146: {  	[sflag:s0] =	ssyncadd.s32 @!p0 s1  }
0x147: {  	[bflag:$0x3] =	sbarrier.arrive $0xFFFF  }
0x148: {  	_ =	shalt  }

// kernel: sparse-core-data-format-call.cloned.1.call-start
scs
called_computation_lowered:
.L_overlay_start_0:
0x0: {  	s2 =	sld [smem:$0x3FD9]  }
0x1: {  	s3 =	sld [smem:$0x3FFE];
	_ =	sdelay $0x1  }
0x2: {  	s1 =	srdreg.scid  }
0x3: {  	s0 =	sand.u32 $0x1, s1  }
0x4: {  	s18 =	sshll.u32 s0, $0xA;
	s2 =	sadd.s32 s3, s2  }
0x5: {  	s2 =	sadd.s32 s2, s18  }
0x6: {  	[smem:$0x3FC6] =	sst s2  }
0x7: {  	_ = 	snop  }
0x8: {  	s2 =	sld [smem:$0x3FD0];
	(tm) =	ssettm $0x1  }
0x9: {  	s19 =	sld [smem:$0x3FFB];
	_ =	sdelay $0x3  }
0xa: {  	_ =	strace s19  }
0xb: {  	s3 =	sld [smem:$0x3FFC];
	_ =	sdelay $0x3  }
0xc: {  	_ =	strace s3  }
0xd: {  	s3 =	sld [smem:$0x3FFD];
	_ =	sdelay $0x3  }
0xe: {  	_ =	strace s3  }
0xf: {  	_ =	strace $0x8FFFFFFF  }
0x10: {  	s20 =	sld [smem:$0x3FDB];
	_ =	sdelay $0x1  }
0x11: {  	s4 =	simm.s32 $_scs_section_size  }
0x12: {  	s5 =	simm.s32 $_size__tile_overlayer_lowered;
	s6 =	simm.s32 $_tile_overlayer_lowered  }
0x13: {  	s23 =	simm.s32 $0x1BFF;
	s22 =	sshll.u32 s6, $0x1;
	s3 =	sadd.s32 s4, s20  }
0x14: {  	s7 =	simm.s32 $0x0;
	s21 =	sshll.u32 s5, $0x1;
	s5 =	sadd.s32 s22, s3  }
0x15: {  	[timem:s7], [sflag:s23] =	dma.local [hbm:s5], s21  }
0x16: {  	_ =	swait.ge [sflag:s23], s21  }
0x17: {  	s4 =	ssub.s32 $0x0, s21;
	[sflag:s23] =	ssyncset.done $0x0  }
0x18: {  	[sflag:s23] =	ssyncadd.s32 s4;
	_ =	sdelay $0x1  }
0x19: {  	s24 =	simm.s32 $0x1B8B  }
0x1a: {  	_ =	swait.ge [sflag:s24], $0x1  }
0x1b: {  	[sflag:s24] =	ssyncset.done $0x0  }
0x1c: {  	s26 =	simm.s32 $0x1B8E;
	s25 =	sld [smem:$0x3FFE];
	[sflag:s24] =	ssyncadd.s32 $0xFFFFFFFF  }
0x1d: {  	s27 =	simm.s32 $execute0_lowered;
	[smem:$0x3FD2] =	sst s26  }
0x1e: {  	s5 =	sshll.u32 s27, $0x1;
	_ =	strace $0x80000049;
	[dreg:$0x1] =	wrdreg $0xFFFFFFFF  }
0x1f: {  	s28 =	simm.s32 $_size_execute0_lowered;
	s3 =	sadd.s32 s3, s5;
	[dreg:$0x0] =	wrdreg $0x0  }
0x20: {  	s5 =	sshll.u32 s28, $0x1;
	[dreg:$0x2] =	wrdreg s3  }
0x21: {  	[dreg:$0x3] =	wrdreg s5  }
0x22: {  	[dreg:$0x4] =	wrdreg $0xC0  }
0x23: {  	_ =	task [dreg:s7], $0x5FFFF  }
0x24: {  	[dreg:$0x1] =	wrdreg $0xFFFFFFFF  }
0x25: {  	[dreg:$0x0] =	wrdreg $0x60  }
0x26: {  	[dreg:$0x2] =	wrdreg s25  }
0x27: {  	[dreg:$0x3] =	wrdreg s2  }
0x28: {  	[dreg:$0x4] =	wrdreg $0x9  }
0x29: {  	_ =	task.clear_ibuf [dreg:s7], $0x5FFFF;
	_ =	strace $0x90000049  }
0x2a: {  	s29 =	simm.s32 $0x9;
	_ =	strace $0x8000004B  }
0x2b: {  	_ =	swait.ge [sflag:s29], $0x1  }
0x2c: {  	[sflag:s29] =	ssyncadd.s32 $0xFFFFFFFF  }
0x2d: {  	_ =	strace $0x9000004B  }
0x2e: {  	_ =	sfence  }
0x2f: {  	s30 =	sld [smem:$0x0];
	_ =	sdelay $0x2  }
0x30: {  	s31 =	sshll.u32 s1, $0xD;
	s1 =	sshrl.u32 s1, $0x2  }
0x31: {  	s3 =	sand.u32 $0x4000, s31;
	s1 =	sadd.s32 s1, s30  }
0x32: {  	s0 =	sor.u32 s3, s0;
	s1 =	sshll.u32 s1, $0x11  }
0x33: {  	s0 =	sor.u32 s1, s0  }
0x34: {  	s0 =	sadd.s32 $0x8F2B, s0  }
0x35: {  	[sflag:s0] =	ssyncadd.remote.s32 $0x1  }
0x36: {  	_ =	sfence.sel $0xFFFF  }
0x37: {  	[dreg:$0x0] =	wrdreg $0xFFFFFFFF;
	(pc) =	sbr.abs _section_cstart, $3  }
0x38: {  	[dreg:$0x1] =	wrdreg $0xFFFFFFFF  }
0x39: {  	_ =	task.clear_ibuf [dreg:s7], $0x2FFFF;
	_ =	strace $0x9FFFFFFF  }
0x3a: {  	(tm) =	ssettm $0x7FFFFFFF  }
0x3b: {  	_ =	shalt  }
tec
execute0_lowered:
.L_overlay_start_1:
0x0: {  	(tag) =	ssettag $0x1  }
0x1: {  	s0 =	srdreg.scid  }
0x2: {  	s1 =	sshll.u32 s0, $0x4  }
0x3: {  	s0 =	stileid.u32;
	s1 =	sand.u32 $0x10, s1  }
0x4: {  	s1 =	sor.u32 s0, s1  }
0x5: {  	s6 =	rddreg [dreg:$0x0];
	s4 =	simm.s32 $0x1;
	s2 =	sshll.u32 s1, $0x7  }
0x6: {  	s7 =	simm.s32 $0x2;
	s12 =	simm.s32 $0x0;
	s1 =	ssub.s32 $0x1000, s2  }
0x7: {  	s8 =	simm.s32 $0x8000;
	s13 =	simm.s32 $0x0;
	s3 =	sand.u32 $0xF80, s1  }
0x8: {  	s9 =	simm.s32 $0x0;
	s5 =	sshrl.u32 s1, $0xC;
	p0 =	sne.s32 s3, $0x0  }
.Ltmp0:
0x9: {  	s1 =	rddreg [dreg:$0x2];
	s4 =	simm.s32 @!p0 $0x0;
	(pc) =	sbr.rel .LBB1_1-.Ltmp0, $4  }
0xa: {  	s11 =	simm.s32 $0x0;
	s3 =	rddreg [dreg:$0x1];
	s5 =	sadd.s32 s4, s5  }
0xb: {  	_ =	strace $0x8000004A;
	s4 =	simm.s32 $0x1;
	s5 =	smul.u32 $0xC8, s5  }
0xc: {  	s6 =	sadd.s32 $0xA00, s6;
	s10 =	smov.u32 s2;
	[sflag:s4] =	ssyncpa.u1 $0x0  }
0xd: {  	p0 =	por $0x0, $0x0;
	[sflag:s7] =	ssyncpa.u1 $0x0;
	s7 =	sor.u32 $0x1, s5  }
.LBB1_4:
0xe: {  	s16 =	sshll.u32 s13, $0x3;
	s17 =	sand.u32 $0x78, s13  }
0xf: {  	s30 =	sand.u32 $0x7E00, s13;
	s12 =	sshll.u32 s12, $0xF;
	s16 =	sand.u32 $0xC00, s16  }
0x10: {  	[tilespmem:s15+$0x810 ss:$0x81] =	vst.msk $0xffff, v2;
	s31 =	sand.u32 $0x7, s13;
	s16 =	sor.u32 s17, s16;
	s17 =	sadd.s32 s3, s30  }
0x11: {  	[tilespmem:s15+$0x1020 ss:$0x81] =	vst.msk $0xffff, v0;
	s13 =	sshll.u32 s31, $0x12;
	s12 =	sadd.s32 s12, s17;
	s16 =	sshrl.u32 s16, $0x3  }
0x12: {  	[tilespmem:s15+$0x0 ss:$0x81] =	vst.msk $0xffff, v1;
	s13 =	sor.u32 $0x400, s13;
	s12 =	sadd.s32 s16, s12  }
0x13: {  	[hbm4b:s12+s13] =	stream.strided.scatter [tilespmem:s14], [sflag:$0x2], $0x2000, s8, s13, $0x20;
	[tilespmem:$0x8080] =	vst v63  }
.LBB1_5:
0x14: {  	s14 =	sadd.s32 $0x1, s9  }
0x15: {  	s12 =	sadd.s32 $0x1000, s10;
	s16 =	smov.u32 s10;
	p2 =	sgt.s32 s14, $0xC7  }
0x16: {  	s16 =	smov.u32 @p2 s12  }
0x17: {  	s14 =	simm.s32 @p2 $0x0;
	p2 =	sgt.s32 s16, $0xFFF  }
0x18: {  	s16 =	smov.u32 @p2 s2;
	p2 =	sne.s32 s11, s7  }
.Ltmp1:
0x19: {  	p1 =	slt.u32 s11, $0x2;
	(pc) =	sbr.rel @!p2 .LBB1_6-.Ltmp1, $4  }
0x1a: {  	s15 =	simm.s32 @!p1 $0x2  }
0x1b: {  	s13 =	smov.u32 s10;
	p0 =	por !p0, !p0;
	_ =	swait.ge @!p1 [sflag:s15], $0x2000  }
0x1c: {  	s12 =	smov.u32 s9;
	[sflag:s15] =	ssyncset.done @!p1 $0x0;
	s9 =	smov.u32 s14  }
0x1d: {  	s11 =	sadd.s32 $0x1, s11;
	[sflag:s15] =	ssyncadd.s32 @!p1 $0xFFFFE000;
	s10 =	smov.u32 s16  }
.LBB1_1:
0x1e: {  	p1 =	sge.u32 s11, s5  }
0x1f: {  	s14 =	sand.u32 @!p1 $0x1FFFFFF, s9  }
0x20: {  	s15 =	smulhi.u32 @!p1 $0x147AE15, s14;
	_ =	sdelay $0x1  }
0x21: {  	s15 =	smul.u32 @!p1 $0xC8, s15  }
0x22: {  	s16 =	sxor.u32 @!p1 $0xFFFFFFFF, s11;
	s17 =	smul.u32 @!p1 $0xC80, s10  }
0x23: {  	s31 =	sadd.s32 $0xFFFFFFFF, s11;
	s16 =	sshll.u32 @!p1 s16, $0xD;
	s14 =	ssub.s32 @!p1 s14, s15  }
0x24: {  	s15 =	sand.u32 @!p1 $0x2000, s16;
	s16 =	sadd.s32 @!p1 s6, s17;
	s14 =	sshll.u32 @!p1 s14, $0x4  }
0x25: {  	s17 =	simm.s32 @!p1 $0x6400;
	s14 =	sadd.s32 @!p1 s14, s16;
	s16 =	simm.s32 @!p1 $0x40  }
0x26: {  	[tilespmem:s15], [sflag:$0x1] =	stream.strided.gather @!p1 [hbm4b:s14+s16], $0x2000, s17, s16, $0x38;
	[tilespmem:$0x8080] =	vst v63  }
0x27: {  	p1 =	sge.u32 s31, s5  }
.Ltmp2:
0x28: {  	_ = 	snop;
	(pc) =	sbr.rel @p1 .LBB1_5-.Ltmp2, $1  }
0x29: {  	_ =	sdelay $0x3  }
0x2a: {  	s14 =	simm.s32 $0x1  }
0x2b: {  	_ =	swait.ge [sflag:s4], $0x2000;
	s14 =	simm.s32 @!p0 $0x0  }
0x2c: {  	[sflag:s4] =	ssyncset.done $0x0;
	s15 =	sshll.u32 s14, $0xD  }
0x2d: {  	[sflag:s4] =	ssyncadd.s32 $0xFFFFE000;
	s18 =	sor.u32 $0x20, s15  }
0x2e: {  	s14 =	smul.u32 $0x8100, s14;
	v3 =	vld [tilespmem:s18+$0x10]  }
0x2f: {  	s30 =	sand.u32 $0x1, s11;
	v2 =	vld [tilespmem:s18+$0xFFFFFFF0]  }
0x30: {  	s15 =	smul.u32 $0x8100, s30;
	s14 =	sshrl.u32 s14, $0x2;
	v0 =	vld [tilespmem:s18+$0x0]  }
0x31: {  	v1 =	vld [tilespmem:s18+$0xFFFFFFE0];
	s16 =	sor.u32 $0x4000, s14  }
0x32: {  	s31 =	sshrl.u32 s15, $0x2;
	s15 =	sadd.s32 $0x0, s16  }
0x33: {  	s17 =	simm.s32 $0x4;
	s18 =	sadd.s32 $0x40, s18;
	s14 =	sor.u32 $0x4000, s31;
	[tilespmem:s15+$0x1830 ss:$0x81] =	vst.msk $0xffff, v3  }
.LBB1_3:
0x34: {  	v3 =	vld [tilespmem:s18+$0x10];
	p1 =	sne.s32 s17, $0x1FC;
	[tilespmem:s15+$0x810 ss:$0x81] =	vst.msk $0xffff, v2;
	s19 =	smov.u32 s17;
	s17 =	sadd.s32 $0x4, s17  }
.Ltmp3:
0x35: {  	v2 =	vld [tilespmem:s18+$0xFFFFFFF0];
	[tilespmem:s15+$0x1020 ss:$0x81] =	vst.msk $0xffff, v0;
	(pc) =	sbr.rel @p1 .LBB1_3-.Ltmp3, $4  }
0x36: {  	v0 =	vld [tilespmem:s18+$0x0];
	[tilespmem:s15+$0x0 ss:$0x81] =	vst.msk $0xffff, v1  }
0x37: {  	s15 =	sshra.s32 s19, $0x2;
	v1 =	vld [tilespmem:s18+$0xFFFFFFE0]  }
0x38: {  	s15 =	sadd.s32 s15, s16  }
0x39: {  	s18 =	sadd.s32 $0x40, s18;
	[tilespmem:s15+$0x1830 ss:$0x81] =	vst.msk $0xffff, v3  }
.Ltmp4:
0x3a: {  	_ = 	snop;
	(pc) =	sbr.rel .LBB1_4-.Ltmp4, $1  }
0x3b: {  	_ =	sdelay $0x3  }
.LBB1_6:
0x3c: {  	_ =	sfence.sel $0x180000  }
0x3d: {  	s2 =	simm.s32 $0x1;
	[bflag:$0x0] =	sbarrier.arrive $0xFFFF  }
0x3e: {  	s31 =	simm.s32 $0x2;
	[sflag:s2] =	ssyncpa.u1 $0x1  }
0x3f: {  	[sflag:s31] =	ssyncpa.u1 $0x1  }
0x40: {  	p0 =	sne.s32 s0, $0x0;
	_ =	strace $0x9000004A  }
0x41: {  	s0 =	sadd.s32 @!p0 $0x100000, s1;
	[bflag:$0x2] =	sbarrier.arrive $0xFFFF  }
0x42: {  	[sflag:s0] =	ssyncadd.tile.s32 @!p0 $0x1;
	_ =	shalt  }
.Lfunc_end1:
_tile_overlayer_lowered:
.L_overlay_start_2:
0x43: {  	(tag) =	ssettag $0x2  }
0x44: {  	s0 =	rddreg [dreg:$0x0];
	s2 =	stileid.u32  }
0x45: {  	s1 =	rddreg [dreg:$0x1];
	p0 =	sne.s32 s2, $0x0  }
0x46: {  	s3 =	rddreg [dreg:$0x2];
	[bflag:$0x3] =	sbarrier.arrive $0xFFFF;
	s2 =	simm.s32 @!p0 $0x1C01  }
0x47: {  	[timem:s3], [sflag:s2] =	dma.local @!p0 [hbm:s0], s1  }
0x48: {  	s0 =	simm.s32 @!p0 $0x1  }
0x49: {  	_ =	swait.ge @!p0 [sflag:s0], s1  }
0x4a: {  	s1 =	ssub.s32 @!p0 $0x0, s1;
	[sflag:s0] =	ssyncset.done @!p0 $0x0  }
0x4b: {  	[sflag:s0] =	ssyncadd.s32 @!p0 s1  }
0x4c: {  	[bflag:$0x3] =	sbarrier.arrive $0xFFFF  }
0x4d: {  	_ =	shalt  }

</sc_bundles>
